<compile_context>
chip_gen: v7x
topology: tpu7x:2x2x1
jax: 0.10.2.dev20260603
libtpu: 0.0.44.dev20260713+nightly
codegen_flags: <defaults>
</compile_context>

<pallas_src>
import functools

import jax
import jax.numpy as jnp
from jax import lax
from jax.experimental import pallas as pl
from jax.experimental.pallas import tpu as pltpu
from jax.experimental.pallas import tpu_sc as plsc

_EMBED_DIM = 256
_K = 8192
_N = 8192
_BETA = 0.25

_BR = 1024
_BK = 1024

_NC = 2
_NS = 16
_NW = _NC * _NS
_CHUNK = 64
_GC = 4
_ROWS_PER_W = _N // _NW


def _argmin_body(x_ref, e_ref, idx_ref, loss_ref, e2_ref, enorm_ref):
    ri = pl.program_id(0)

    @pl.when(ri == 0)
    def _prep():
        e = e_ref[...]
        e2_ref[...] = e * -2.0
        enorm_ref[...] = jnp.sum(e * e, axis=0, keepdims=True)
        loss_ref[...] = jnp.zeros_like(loss_ref)

    f = x_ref[...]
    fnorm = jnp.sum(f * f, axis=1, keepdims=True)
    fiota = lax.broadcasted_iota(jnp.int32, (_BR, _BK), 1).astype(jnp.float32)
    best_val = None
    best_idx = None
    for c in range(_K // _BK):
        e2 = e2_ref[:, c * _BK:(c + 1) * _BK]
        sim2 = lax.dot_general(f, e2, (((1,), (0,)), ((), ())),
                               preferred_element_type=jnp.float32)
        d = (fnorm + enorm_ref[:, c * _BK:(c + 1) * _BK]) + sim2
        rowmin = jnp.min(d, axis=1, keepdims=True)
        rowarg = jnp.min(jnp.where(d == rowmin, fiota, jnp.float32(1e9)),
                         axis=1, keepdims=True) + jnp.float32(c * _BK)
        if c == 0:
            best_val, best_idx = rowmin, rowarg
        else:
            better = rowmin < best_val
            best_val = jnp.where(better, rowmin, best_val)
            best_idx = jnp.where(better, rowarg, best_idx)
    idx_ref[...] = best_idx.astype(jnp.int32).T.reshape(1, 1, _BR)
    loss_ref[...] += jnp.sum(best_val)[None, None]

    @pl.when(ri == pl.num_programs(0) - 1)
    def _finalize():
        m = loss_ref[0, 0] / jnp.float32(_N * _EMBED_DIM)
        loss_ref[...] = (_BETA * m + m)[None, None]


def _argmin_call(flat, emb):
    nr = flat.shape[0] // _BR
    return pl.pallas_call(
        _argmin_body,
        grid=(nr,),
        in_specs=[
            pl.BlockSpec((_BR, _EMBED_DIM), lambda ri: (ri, 0)),
            pl.BlockSpec((_EMBED_DIM, _K), lambda ri: (0, 0)),
        ],
        out_specs=[
            pl.BlockSpec((1, 1, _BR), lambda ri: (ri, 0, 0)),
            pl.BlockSpec((1, 1), lambda ri: (0, 0)),
        ],
        out_shape=[
            jax.ShapeDtypeStruct((flat.shape[0] // _BR, 1, _BR), jnp.int32),
            jax.ShapeDtypeStruct((1, 1), jnp.float32),
        ],
        scratch_shapes=[
            pltpu.VMEM((_EMBED_DIM, _K), jnp.float32),
            pltpu.VMEM((1, _K), jnp.float32),
        ],
    )(flat, emb)


def _gather_body(table_hbm, idx_hbm, out_hbm, idx_v, rows_v,
                 semr0, semr1, semr2, semr3, semw):
    wid = lax.axis_index("s") * _NC + lax.axis_index("c")
    semr = (semr0, semr1, semr2, semr3)
    pltpu.sync_copy(idx_hbm.at[wid], idx_v)
    reads = [pltpu.async_copy(table_hbm.at[idx_v.at[j]], rows_v.at[j], semr[j])
             for j in range(_GC)]
    writes = []
    for j in range(_GC):
        reads[j].wait()
        writes.append(pltpu.async_copy(
            rows_v.at[j],
            out_hbm.at[pl.ds(wid * _ROWS_PER_W + j * _CHUNK, _CHUNK)], semw))
    for w in writes:
        w.wait()


def _gather_call(table, idx3):
    mesh = plsc.VectorSubcoreMesh(core_axis_name="c", subcore_axis_name="s")
    gk = functools.partial(
        pl.kernel,
        out_type=jax.ShapeDtypeStruct((_N, _EMBED_DIM), jnp.float32),
        mesh=mesh,
        scratch_types=[
            pltpu.VMEM((_GC, _CHUNK), jnp.int32),
            pltpu.VMEM((_GC, _CHUNK, _EMBED_DIM), jnp.float32),
            pltpu.SemaphoreType.DMA,
            pltpu.SemaphoreType.DMA,
            pltpu.SemaphoreType.DMA,
            pltpu.SemaphoreType.DMA,
            pltpu.SemaphoreType.DMA,
        ],
    )(_gather_body)
    return gk(table, idx3)


def kernel(x, embedding):
    shape = x.shape
    flat = x.reshape(-1, _EMBED_DIM)
    idx2, loss_acc = _argmin_call(flat, embedding)
    idx3 = idx2.reshape(_NW, _GC, _CHUNK)
    q = _gather_call(embedding.T, idx3)
    return q.reshape(shape), loss_acc.reshape(())

# --- scband reference (transcript-rebuilt; emitter-appended) ---
"""Pipeline reference for scband-text-encode-21148418966049 (READ-ONLY COPY).

The authoritative reference and input builder live on the scoring server;
editing this copy changes nothing except your own understanding.
"""

import jax, jax.numpy as jnp
import numpy as np

EMBED_DIM = 256
NUM_EMBEDDINGS = 8192
BETA = 0.25


def setup_inputs(seed: int = 0) -> dict:
    key = jax.random.key(seed)
    k1, k2 = jax.random.split(key)
    x = jax.random.normal(k1, (8, 1024, EMBED_DIM), dtype=jnp.float32)
    # tf.random_uniform_initializer default: minval=-0.05, maxval=0.05
    embedding = jax.random.uniform(k2, (EMBED_DIM, NUM_EMBEDDINGS), minval=-0.05, maxval=0.05, dtype=jnp.float32)
    return {"x": x, "embedding": embedding}


def _get_code_indices(flattened, embedding):
    # L2 distance via expansion: ||f||^2 + ||e||^2 - 2 f.e
    similarity = flattened @ embedding  # [N, K]
    distances = (
        jnp.sum(flattened ** 2, axis=1, keepdims=True)
        + jnp.sum(embedding ** 2, axis=0)
        - 2.0 * similarity
    )
    return jnp.argmin(distances, axis=1)


def reference(x, embedding):
    input_shape = x.shape
    flattened = x.reshape(-1, EMBED_DIM)
    encoding_indices = _get_code_indices(flattened, embedding)
    encodings = jax.nn.one_hot(encoding_indices, NUM_EMBEDDINGS, dtype=jnp.float32)
    quantized = encodings @ embedding.T  # [N, EMBED_DIM]
    quantized = quantized.reshape(input_shape)
    commitment_loss = BETA * jnp.mean((jax.lax.stop_gradient(quantized) - x) ** 2)
    codebook_loss = jnp.mean((quantized - jax.lax.stop_gradient(x)) ** 2)
    loss = commitment_loss + codebook_loss
    # straight-through estimator
    quantized_st = x + jax.lax.stop_gradient(quantized - x)
    return quantized_st, loss

if __name__ == "__main__":
    import jax
    _d = setup_inputs()
    print(jax.jit(kernel)(*tuple(_d.values())))

</pallas_src>

<mosaic_0001>
#map = affine_map<(d0, d1) -> (0, 0)>
#map1 = affine_map<(d0, d1) -> (0, 0, 0)>
module attributes {stable_mosaic.version = 14 : i64} {
  func.func @_gather_body(%arg0: i32, %arg1: i32, %arg2: memref<8192x256xf32, #tpu.memory_space<hbm>>, %arg3: memref<32x4x64xi32, #tpu.memory_space<hbm>>, %arg4: memref<8192x256xf32, #tpu.memory_space<hbm>>, %arg5: memref<4x64xi32, #tpu.memory_space<vmem>>, %arg6: memref<4x64x256xf32, #tpu.memory_space<vmem>>, %arg7: memref<!tpu.dma_semaphore, #tpu.memory_space<semaphore_mem>>, %arg8: memref<!tpu.dma_semaphore, #tpu.memory_space<semaphore_mem>>, %arg9: memref<!tpu.dma_semaphore, #tpu.memory_space<semaphore_mem>>, %arg10: memref<!tpu.dma_semaphore, #tpu.memory_space<semaphore_mem>>, %arg11: memref<!tpu.dma_semaphore, #tpu.memory_space<semaphore_mem>>) attributes {dimension_semantics = [#tpu.dimension_semantics<core_parallel>, #tpu.dimension_semantics<subcore_parallel>], iteration_bounds = array<i64: 2, 16>, scalar_prefetch = 0 : i64, scratch_operands = 7 : i64, tpu.core_type = #tpu.core_type<sc_vector_subcore>, window_params = [{transform_indices = #map}, {transform_indices = #map1}, {transform_indices = #map}]} {
    %mul3A = arith.constant 2 : i32
    %mul3A_0 = arith.muli %arg1, %mul3A : i32
    %add3A = arith.addi %mul3A_0, %arg0 : i32
    "tpu.region"() ({
      %run_scoped3A = tpu.sem_alloc : memref<!tpu.dma_semaphore, #tpu.memory_space<semaphore_mem>>
      %dma_start3A_215 = arith.constant 0 : i32
      %dma_start3A_216 = arith.constant 0 : i32
      %dma_start3A_217 = tpu.memref_slice %arg3[%add3A, %dma_start3A_215, %dma_start3A_216] : memref<32x4x64xi32, #tpu.memory_space<hbm>> -> memref<1x4x64xi32, #tpu.memory_space<hbm>>
      %dma_start3A_218 = tpu.memref_squeeze %dma_start3A_217 : memref<1x4x64xi32, #tpu.memory_space<hbm>> -> memref<4x64xi32, #tpu.memory_space<hbm>>
      %dma_start3A_219 = arith.constant 0 : i32
      %dma_start3A_220 = arith.constant 0 : i32
      %dma_start3A_221 = tpu.memref_slice %arg3[%add3A, %dma_start3A_219, %dma_start3A_220] : memref<32x4x64xi32, #tpu.memory_space<hbm>> -> memref<1x4x64xi32, #tpu.memory_space<hbm>>
      %dma_start3A_222 = tpu.memref_squeeze %dma_start3A_221 : memref<1x4x64xi32, #tpu.memory_space<hbm>> -> memref<4x64xi32, #tpu.memory_space<hbm>>
      tpu.enqueue_dma source(%dma_start3A_222 : memref<4x64xi32, #tpu.memory_space<hbm>>) target(%arg5 : memref<4x64xi32, #tpu.memory_space<vmem>>) target_semaphore(%run_scoped3A : memref<!tpu.dma_semaphore, #tpu.memory_space<semaphore_mem>>)
      %dma_wait3A_223 = arith.constant 0 : i32
      %dma_wait3A_224 = arith.constant 0 : i32
      %dma_wait3A_225 = tpu.memref_slice %arg3[%add3A, %dma_wait3A_223, %dma_wait3A_224] : memref<32x4x64xi32, #tpu.memory_space<hbm>> -> memref<1x4x64xi32, #tpu.memory_space<hbm>>
      %dma_wait3A_226 = tpu.memref_squeeze %dma_wait3A_225 : memref<1x4x64xi32, #tpu.memory_space<hbm>> -> memref<4x64xi32, #tpu.memory_space<hbm>>
      %dma_wait3A_227 = arith.constant 0 : i32
      %dma_wait3A_228 = arith.constant 0 : i32
      %dma_wait3A_229 = tpu.memref_slice %arg3[%add3A, %dma_wait3A_227, %dma_wait3A_228] : memref<32x4x64xi32, #tpu.memory_space<hbm>> -> memref<1x4x64xi32, #tpu.memory_space<hbm>>
      %dma_wait3A_230 = tpu.memref_squeeze %dma_wait3A_229 : memref<1x4x64xi32, #tpu.memory_space<hbm>> -> memref<4x64xi32, #tpu.memory_space<hbm>>
      tpu.wait_dma2 semaphore(%run_scoped3A : memref<!tpu.dma_semaphore, #tpu.memory_space<semaphore_mem>>) src(%dma_wait3A_230 : memref<4x64xi32, #tpu.memory_space<hbm>>) dst(%arg5 : memref<4x64xi32, #tpu.memory_space<vmem>>)
      tpu.yield
    }) : () -> ()
    %dma_start3A = arith.constant 0 : i32
    %dma_start3A_1 = arith.constant 0 : i32
    %dma_start3A_2 = arith.constant 0 : i32
    %dma_start3A_3 = arith.constant 0 : i32
    %dma_start3A_4 = tpu.memref_slice %arg6[%dma_start3A_1, %dma_start3A_2, %dma_start3A_3] : memref<4x64x256xf32, #tpu.memory_space<vmem>> -> memref<1x64x256xf32, #tpu.memory_space<vmem>>
    %dma_start3A_5 = tpu.memref_squeeze %dma_start3A_4 : memref<1x64x256xf32, #tpu.memory_space<vmem>> -> memref<64x256xf32, #tpu.memory_space<vmem>>
    %dma_start3A_6 = arith.constant 0 : i32
    %dma_start3A_7 = tpu.memref_slice %arg5[%dma_start3A, %dma_start3A_6] : memref<4x64xi32, #tpu.memory_space<vmem>> -> memref<1x64xi32, #tpu.memory_space<vmem>>
    %dma_start3A_8 = tpu.memref_squeeze %dma_start3A_7 : memref<1x64xi32, #tpu.memory_space<vmem>> -> memref<64xi32, #tpu.memory_space<vmem>>
    %dma_start3A_9 = arith.constant 0 : i32
    %dma_start3A_10 = arith.constant 0 : i32
    %dma_start3A_11 = tpu.memref_slice %arg2[%dma_start3A_9, %dma_start3A_10] : memref<8192x256xf32, #tpu.memory_space<hbm>> -> memref<8192x256xf32, #tpu.memory_space<hbm>>
    tpu.enqueue_indirect_dma source(%dma_start3A_11 : memref<8192x256xf32, #tpu.memory_space<hbm>>) target(%dma_start3A_5 : memref<64x256xf32, #tpu.memory_space<vmem>>) offsets(%dma_start3A_8 : memref<64xi32, #tpu.memory_space<vmem>>) semaphore(%arg7 : memref<!tpu.dma_semaphore, #tpu.memory_space<semaphore_mem>>)
    %dma_start3A_12 = arith.constant 1 : i32
    %dma_start3A_13 = arith.constant 1 : i32
    %dma_start3A_14 = arith.constant 0 : i32
    %dma_start3A_15 = arith.constant 0 : i32
    %dma_start3A_16 = tpu.memref_slice %arg6[%dma_start3A_13, %dma_start3A_14, %dma_start3A_15] : memref<4x64x256xf32, #tpu.memory_space<vmem>> -> memref<1x64x256xf32, #tpu.memory_space<vmem>>
    %dma_start3A_17 = tpu.memref_squeeze %dma_start3A_16 : memref<1x64x256xf32, #tpu.memory_space<vmem>> -> memref<64x256xf32, #tpu.memory_space<vmem>>
    %dma_start3A_18 = arith.constant 0 : i32
    %dma_start3A_19 = tpu.memref_slice %arg5[%dma_start3A_12, %dma_start3A_18] : memref<4x64xi32, #tpu.memory_space<vmem>> -> memref<1x64xi32, #tpu.memory_space<vmem>>
    %dma_start3A_20 = tpu.memref_squeeze %dma_start3A_19 : memref<1x64xi32, #tpu.memory_space<vmem>> -> memref<64xi32, #tpu.memory_space<vmem>>
    %dma_start3A_21 = arith.constant 0 : i32
    %dma_start3A_22 = arith.constant 0 : i32
    %dma_start3A_23 = tpu.memref_slice %arg2[%dma_start3A_21, %dma_start3A_22] : memref<8192x256xf32, #tpu.memory_space<hbm>> -> memref<8192x256xf32, #tpu.memory_space<hbm>>
    tpu.enqueue_indirect_dma source(%dma_start3A_23 : memref<8192x256xf32, #tpu.memory_space<hbm>>) target(%dma_start3A_17 : memref<64x256xf32, #tpu.memory_space<vmem>>) offsets(%dma_start3A_20 : memref<64xi32, #tpu.memory_space<vmem>>) semaphore(%arg8 : memref<!tpu.dma_semaphore, #tpu.memory_space<semaphore_mem>>)
    %dma_start3A_24 = arith.constant 2 : i32
    %dma_start3A_25 = arith.constant 2 : i32
    %dma_start3A_26 = arith.constant 0 : i32
    %dma_start3A_27 = arith.constant 0 : i32
    %dma_start3A_28 = tpu.memref_slice %arg6[%dma_start3A_25, %dma_start3A_26, %dma_start3A_27] : memref<4x64x256xf32, #tpu.memory_space<vmem>> -> memref<1x64x256xf32, #tpu.memory_space<vmem>>
    %dma_start3A_29 = tpu.memref_squeeze %dma_start3A_28 : memref<1x64x256xf32, #tpu.memory_space<vmem>> -> memref<64x256xf32, #tpu.memory_space<vmem>>
    %dma_start3A_30 = arith.constant 0 : i32
    %dma_start3A_31 = tpu.memref_slice %arg5[%dma_start3A_24, %dma_start3A_30] : memref<4x64xi32, #tpu.memory_space<vmem>> -> memref<1x64xi32, #tpu.memory_space<vmem>>
    %dma_start3A_32 = tpu.memref_squeeze %dma_start3A_31 : memref<1x64xi32, #tpu.memory_space<vmem>> -> memref<64xi32, #tpu.memory_space<vmem>>
    %dma_start3A_33 = arith.constant 0 : i32
    %dma_start3A_34 = arith.constant 0 : i32
    %dma_start3A_35 = tpu.memref_slice %arg2[%dma_start3A_33, %dma_start3A_34] : memref<8192x256xf32, #tpu.memory_space<hbm>> -> memref<8192x256xf32, #tpu.memory_space<hbm>>
    tpu.enqueue_indirect_dma source(%dma_start3A_35 : memref<8192x256xf32, #tpu.memory_space<hbm>>) target(%dma_start3A_29 : memref<64x256xf32, #tpu.memory_space<vmem>>) offsets(%dma_start3A_32 : memref<64xi32, #tpu.memory_space<vmem>>) semaphore(%arg9 : memref<!tpu.dma_semaphore, #tpu.memory_space<semaphore_mem>>)
    %dma_start3A_36 = arith.constant 3 : i32
    %dma_start3A_37 = arith.constant 3 : i32
    %dma_start3A_38 = arith.constant 0 : i32
    %dma_start3A_39 = arith.constant 0 : i32
    %dma_start3A_40 = tpu.memref_slice %arg6[%dma_start3A_37, %dma_start3A_38, %dma_start3A_39] : memref<4x64x256xf32, #tpu.memory_space<vmem>> -> memref<1x64x256xf32, #tpu.memory_space<vmem>>
    %dma_start3A_41 = tpu.memref_squeeze %dma_start3A_40 : memref<1x64x256xf32, #tpu.memory_space<vmem>> -> memref<64x256xf32, #tpu.memory_space<vmem>>
    %dma_start3A_42 = arith.constant 0 : i32
    %dma_start3A_43 = tpu.memref_slice %arg5[%dma_start3A_36, %dma_start3A_42] : memref<4x64xi32, #tpu.memory_space<vmem>> -> memref<1x64xi32, #tpu.memory_space<vmem>>
    %dma_start3A_44 = tpu.memref_squeeze %dma_start3A_43 : memref<1x64xi32, #tpu.memory_space<vmem>> -> memref<64xi32, #tpu.memory_space<vmem>>
    %dma_start3A_45 = arith.constant 0 : i32
    %dma_start3A_46 = arith.constant 0 : i32
    %dma_start3A_47 = tpu.memref_slice %arg2[%dma_start3A_45, %dma_start3A_46] : memref<8192x256xf32, #tpu.memory_space<hbm>> -> memref<8192x256xf32, #tpu.memory_space<hbm>>
    tpu.enqueue_indirect_dma source(%dma_start3A_47 : memref<8192x256xf32, #tpu.memory_space<hbm>>) target(%dma_start3A_41 : memref<64x256xf32, #tpu.memory_space<vmem>>) offsets(%dma_start3A_44 : memref<64xi32, #tpu.memory_space<vmem>>) semaphore(%arg10 : memref<!tpu.dma_semaphore, #tpu.memory_space<semaphore_mem>>)
    %dma_wait3A = arith.constant 0 : i32
    %dma_wait3A_48 = arith.constant 0 : i32
    %dma_wait3A_49 = arith.constant 0 : i32
    %dma_wait3A_50 = arith.constant 0 : i32
    %dma_wait3A_51 = tpu.memref_slice %arg6[%dma_wait3A_48, %dma_wait3A_49, %dma_wait3A_50] : memref<4x64x256xf32, #tpu.memory_space<vmem>> -> memref<1x64x256xf32, #tpu.memory_space<vmem>>
    %dma_wait3A_52 = tpu.memref_squeeze %dma_wait3A_51 : memref<1x64x256xf32, #tpu.memory_space<vmem>> -> memref<64x256xf32, #tpu.memory_space<vmem>>
    %dma_wait3A_53 = arith.constant 0 : i32
    %dma_wait3A_54 = tpu.memref_slice %arg5[%dma_wait3A, %dma_wait3A_53] : memref<4x64xi32, #tpu.memory_space<vmem>> -> memref<1x64xi32, #tpu.memory_space<vmem>>
    %dma_wait3A_55 = tpu.memref_squeeze %dma_wait3A_54 : memref<1x64xi32, #tpu.memory_space<vmem>> -> memref<64xi32, #tpu.memory_space<vmem>>
    %dma_wait3A_56 = arith.constant 0 : i32
    %dma_wait3A_57 = arith.constant 0 : i32
    %dma_wait3A_58 = tpu.memref_slice %arg2[%dma_wait3A_56, %dma_wait3A_57] : memref<8192x256xf32, #tpu.memory_space<hbm>> -> memref<8192x256xf32, #tpu.memory_space<hbm>>
    tpu.wait_indirect_dma semaphore(%arg7 : memref<!tpu.dma_semaphore, #tpu.memory_space<semaphore_mem>>) src(%dma_wait3A_58 : memref<8192x256xf32, #tpu.memory_space<hbm>>) dst(%dma_wait3A_52 : memref<64x256xf32, #tpu.memory_space<vmem>>)
    %mul3A_59 = arith.constant 256 : i32
    %mul3A_60 = arith.muli %add3A, %mul3A_59 : i32
    %add3A_61 = arith.constant 0 : i32
    %add3A_62 = arith.addi %mul3A_60, %add3A_61 : i32
    %dma_start3A_63 = arith.constant 0 : i32
    %dma_start3A_64 = arith.constant 0 : i32
    %dma_start3A_65 = arith.constant 0 : i32
    %dma_start3A_66 = tpu.memref_slice %arg6[%dma_start3A_63, %dma_start3A_64, %dma_start3A_65] : memref<4x64x256xf32, #tpu.memory_space<vmem>> -> memref<1x64x256xf32, #tpu.memory_space<vmem>>
    %dma_start3A_67 = tpu.memref_squeeze %dma_start3A_66 : memref<1x64x256xf32, #tpu.memory_space<vmem>> -> memref<64x256xf32, #tpu.memory_space<vmem>>
    %dma_start3A_68 = arith.constant 0 : i32
    %dma_start3A_69 = tpu.memref_slice %arg4[%add3A_62, %dma_start3A_68] : memref<8192x256xf32, #tpu.memory_space<hbm>> -> memref<64x256xf32, #tpu.memory_space<hbm>>
    %dma_start3A_70 = arith.constant 0 : i32
    %dma_start3A_71 = tpu.memref_slice %arg4[%add3A_62, %dma_start3A_70] : memref<8192x256xf32, #tpu.memory_space<hbm>> -> memref<64x256xf32, #tpu.memory_space<hbm>>
    %dma_start3A_72 = arith.constant 0 : i32
    %dma_start3A_73 = arith.constant 0 : i32
    %dma_start3A_74 = tpu.memref_slice %arg6[%dma_start3A_63, %dma_start3A_72, %dma_start3A_73] : memref<4x64x256xf32, #tpu.memory_space<vmem>> -> memref<1x64x256xf32, #tpu.memory_space<vmem>>
    %dma_start3A_75 = tpu.memref_squeeze %dma_start3A_74 : memref<1x64x256xf32, #tpu.memory_space<vmem>> -> memref<64x256xf32, #tpu.memory_space<vmem>>
    tpu.enqueue_dma source(%dma_start3A_75 : memref<64x256xf32, #tpu.memory_space<vmem>>) target(%dma_start3A_71 : memref<64x256xf32, #tpu.memory_space<hbm>>) target_semaphore(%arg11 : memref<!tpu.dma_semaphore, #tpu.memory_space<semaphore_mem>>)
    %dma_wait3A_76 = arith.constant 1 : i32
    %dma_wait3A_77 = arith.constant 1 : i32
    %dma_wait3A_78 = arith.constant 0 : i32
    %dma_wait3A_79 = arith.constant 0 : i32
    %dma_wait3A_80 = tpu.memref_slice %arg6[%dma_wait3A_77, %dma_wait3A_78, %dma_wait3A_79] : memref<4x64x256xf32, #tpu.memory_space<vmem>> -> memref<1x64x256xf32, #tpu.memory_space<vmem>>
    %dma_wait3A_81 = tpu.memref_squeeze %dma_wait3A_80 : memref<1x64x256xf32, #tpu.memory_space<vmem>> -> memref<64x256xf32, #tpu.memory_space<vmem>>
    %dma_wait3A_82 = arith.constant 0 : i32
    %dma_wait3A_83 = tpu.memref_slice %arg5[%dma_wait3A_76, %dma_wait3A_82] : memref<4x64xi32, #tpu.memory_space<vmem>> -> memref<1x64xi32, #tpu.memory_space<vmem>>
    %dma_wait3A_84 = tpu.memref_squeeze %dma_wait3A_83 : memref<1x64xi32, #tpu.memory_space<vmem>> -> memref<64xi32, #tpu.memory_space<vmem>>
    %dma_wait3A_85 = arith.constant 0 : i32
    %dma_wait3A_86 = arith.constant 0 : i32
    %dma_wait3A_87 = tpu.memref_slice %arg2[%dma_wait3A_85, %dma_wait3A_86] : memref<8192x256xf32, #tpu.memory_space<hbm>> -> memref<8192x256xf32, #tpu.memory_space<hbm>>
    tpu.wait_indirect_dma semaphore(%arg8 : memref<!tpu.dma_semaphore, #tpu.memory_space<semaphore_mem>>) src(%dma_wait3A_87 : memref<8192x256xf32, #tpu.memory_space<hbm>>) dst(%dma_wait3A_81 : memref<64x256xf32, #tpu.memory_space<vmem>>)
    %mul3A_88 = arith.constant 256 : i32
    %mul3A_89 = arith.muli %add3A, %mul3A_88 : i32
    %add3A_90 = arith.constant 64 : i32
    %add3A_91 = arith.addi %mul3A_89, %add3A_90 : i32
    %dma_start3A_92 = arith.constant 1 : i32
    %dma_start3A_93 = arith.constant 0 : i32
    %dma_start3A_94 = arith.constant 0 : i32
    %dma_start3A_95 = tpu.memref_slice %arg6[%dma_start3A_92, %dma_start3A_93, %dma_start3A_94] : memref<4x64x256xf32, #tpu.memory_space<vmem>> -> memref<1x64x256xf32, #tpu.memory_space<vmem>>
    %dma_start3A_96 = tpu.memref_squeeze %dma_start3A_95 : memref<1x64x256xf32, #tpu.memory_space<vmem>> -> memref<64x256xf32, #tpu.memory_space<vmem>>
    %dma_start3A_97 = arith.constant 0 : i32
    %dma_start3A_98 = tpu.memref_slice %arg4[%add3A_91, %dma_start3A_97] : memref<8192x256xf32, #tpu.memory_space<hbm>> -> memref<64x256xf32, #tpu.memory_space<hbm>>
    %dma_start3A_99 = arith.constant 0 : i32
    %dma_start3A_100 = tpu.memref_slice %arg4[%add3A_91, %dma_start3A_99] : memref<8192x256xf32, #tpu.memory_space<hbm>> -> memref<64x256xf32, #tpu.memory_space<hbm>>
    %dma_start3A_101 = arith.constant 0 : i32
    %dma_start3A_102 = arith.constant 0 : i32
    %dma_start3A_103 = tpu.memref_slice %arg6[%dma_start3A_92, %dma_start3A_101, %dma_start3A_102] : memref<4x64x256xf32, #tpu.memory_space<vmem>> -> memref<1x64x256xf32, #tpu.memory_space<vmem>>
    %dma_start3A_104 = tpu.memref_squeeze %dma_start3A_103 : memref<1x64x256xf32, #tpu.memory_space<vmem>> -> memref<64x256xf32, #tpu.memory_space<vmem>>
    tpu.enqueue_dma source(%dma_start3A_104 : memref<64x256xf32, #tpu.memory_space<vmem>>) target(%dma_start3A_100 : memref<64x256xf32, #tpu.memory_space<hbm>>) target_semaphore(%arg11 : memref<!tpu.dma_semaphore, #tpu.memory_space<semaphore_mem>>)
    %dma_wait3A_105 = arith.constant 2 : i32
    %dma_wait3A_106 = arith.constant 2 : i32
    %dma_wait3A_107 = arith.constant 0 : i32
    %dma_wait3A_108 = arith.constant 0 : i32
    %dma_wait3A_109 = tpu.memref_slice %arg6[%dma_wait3A_106, %dma_wait3A_107, %dma_wait3A_108] : memref<4x64x256xf32, #tpu.memory_space<vmem>> -> memref<1x64x256xf32, #tpu.memory_space<vmem>>
    %dma_wait3A_110 = tpu.memref_squeeze %dma_wait3A_109 : memref<1x64x256xf32, #tpu.memory_space<vmem>> -> memref<64x256xf32, #tpu.memory_space<vmem>>
    %dma_wait3A_111 = arith.constant 0 : i32
    %dma_wait3A_112 = tpu.memref_slice %arg5[%dma_wait3A_105, %dma_wait3A_111] : memref<4x64xi32, #tpu.memory_space<vmem>> -> memref<1x64xi32, #tpu.memory_space<vmem>>
    %dma_wait3A_113 = tpu.memref_squeeze %dma_wait3A_112 : memref<1x64xi32, #tpu.memory_space<vmem>> -> memref<64xi32, #tpu.memory_space<vmem>>
    %dma_wait3A_114 = arith.constant 0 : i32
    %dma_wait3A_115 = arith.constant 0 : i32
    %dma_wait3A_116 = tpu.memref_slice %arg2[%dma_wait3A_114, %dma_wait3A_115] : memref<8192x256xf32, #tpu.memory_space<hbm>> -> memref<8192x256xf32, #tpu.memory_space<hbm>>
    tpu.wait_indirect_dma semaphore(%arg9 : memref<!tpu.dma_semaphore, #tpu.memory_space<semaphore_mem>>) src(%dma_wait3A_116 : memref<8192x256xf32, #tpu.memory_space<hbm>>) dst(%dma_wait3A_110 : memref<64x256xf32, #tpu.memory_space<vmem>>)
    %mul3A_117 = arith.constant 256 : i32
    %mul3A_118 = arith.muli %add3A, %mul3A_117 : i32
    %add3A_119 = arith.constant 128 : i32
    %add3A_120 = arith.addi %mul3A_118, %add3A_119 : i32
    %dma_start3A_121 = arith.constant 2 : i32
    %dma_start3A_122 = arith.constant 0 : i32
    %dma_start3A_123 = arith.constant 0 : i32
    %dma_start3A_124 = tpu.memref_slice %arg6[%dma_start3A_121, %dma_start3A_122, %dma_start3A_123] : memref<4x64x256xf32, #tpu.memory_space<vmem>> -> memref<1x64x256xf32, #tpu.memory_space<vmem>>
    %dma_start3A_125 = tpu.memref_squeeze %dma_start3A_124 : memref<1x64x256xf32, #tpu.memory_space<vmem>> -> memref<64x256xf32, #tpu.memory_space<vmem>>
    %dma_start3A_126 = arith.constant 0 : i32
    %dma_start3A_127 = tpu.memref_slice %arg4[%add3A_120, %dma_start3A_126] : memref<8192x256xf32, #tpu.memory_space<hbm>> -> memref<64x256xf32, #tpu.memory_space<hbm>>
    %dma_start3A_128 = arith.constant 0 : i32
    %dma_start3A_129 = tpu.memref_slice %arg4[%add3A_120, %dma_start3A_128] : memref<8192x256xf32, #tpu.memory_space<hbm>> -> memref<64x256xf32, #tpu.memory_space<hbm>>
    %dma_start3A_130 = arith.constant 0 : i32
    %dma_start3A_131 = arith.constant 0 : i32
    %dma_start3A_132 = tpu.memref_slice %arg6[%dma_start3A_121, %dma_start3A_130, %dma_start3A_131] : memref<4x64x256xf32, #tpu.memory_space<vmem>> -> memref<1x64x256xf32, #tpu.memory_space<vmem>>
    %dma_start3A_133 = tpu.memref_squeeze %dma_start3A_132 : memref<1x64x256xf32, #tpu.memory_space<vmem>> -> memref<64x256xf32, #tpu.memory_space<vmem>>
    tpu.enqueue_dma source(%dma_start3A_133 : memref<64x256xf32, #tpu.memory_space<vmem>>) target(%dma_start3A_129 : memref<64x256xf32, #tpu.memory_space<hbm>>) target_semaphore(%arg11 : memref<!tpu.dma_semaphore, #tpu.memory_space<semaphore_mem>>)
    %dma_wait3A_134 = arith.constant 3 : i32
    %dma_wait3A_135 = arith.constant 3 : i32
    %dma_wait3A_136 = arith.constant 0 : i32
    %dma_wait3A_137 = arith.constant 0 : i32
    %dma_wait3A_138 = tpu.memref_slice %arg6[%dma_wait3A_135, %dma_wait3A_136, %dma_wait3A_137] : memref<4x64x256xf32, #tpu.memory_space<vmem>> -> memref<1x64x256xf32, #tpu.memory_space<vmem>>
    %dma_wait3A_139 = tpu.memref_squeeze %dma_wait3A_138 : memref<1x64x256xf32, #tpu.memory_space<vmem>> -> memref<64x256xf32, #tpu.memory_space<vmem>>
    %dma_wait3A_140 = arith.constant 0 : i32
    %dma_wait3A_141 = tpu.memref_slice %arg5[%dma_wait3A_134, %dma_wait3A_140] : memref<4x64xi32, #tpu.memory_space<vmem>> -> memref<1x64xi32, #tpu.memory_space<vmem>>
    %dma_wait3A_142 = tpu.memref_squeeze %dma_wait3A_141 : memref<1x64xi32, #tpu.memory_space<vmem>> -> memref<64xi32, #tpu.memory_space<vmem>>
    %dma_wait3A_143 = arith.constant 0 : i32
    %dma_wait3A_144 = arith.constant 0 : i32
    %dma_wait3A_145 = tpu.memref_slice %arg2[%dma_wait3A_143, %dma_wait3A_144] : memref<8192x256xf32, #tpu.memory_space<hbm>> -> memref<8192x256xf32, #tpu.memory_space<hbm>>
    tpu.wait_indirect_dma semaphore(%arg10 : memref<!tpu.dma_semaphore, #tpu.memory_space<semaphore_mem>>) src(%dma_wait3A_145 : memref<8192x256xf32, #tpu.memory_space<hbm>>) dst(%dma_wait3A_139 : memref<64x256xf32, #tpu.memory_space<vmem>>)
    %mul3A_146 = arith.constant 256 : i32
    %mul3A_147 = arith.muli %add3A, %mul3A_146 : i32
    %add3A_148 = arith.constant 192 : i32
    %add3A_149 = arith.addi %mul3A_147, %add3A_148 : i32
    %dma_start3A_150 = arith.constant 3 : i32
    %dma_start3A_151 = arith.constant 0 : i32
    %dma_start3A_152 = arith.constant 0 : i32
    %dma_start3A_153 = tpu.memref_slice %arg6[%dma_start3A_150, %dma_start3A_151, %dma_start3A_152] : memref<4x64x256xf32, #tpu.memory_space<vmem>> -> memref<1x64x256xf32, #tpu.memory_space<vmem>>
    %dma_start3A_154 = tpu.memref_squeeze %dma_start3A_153 : memref<1x64x256xf32, #tpu.memory_space<vmem>> -> memref<64x256xf32, #tpu.memory_space<vmem>>
    %dma_start3A_155 = arith.constant 0 : i32
    %dma_start3A_156 = tpu.memref_slice %arg4[%add3A_149, %dma_start3A_155] : memref<8192x256xf32, #tpu.memory_space<hbm>> -> memref<64x256xf32, #tpu.memory_space<hbm>>
    %dma_start3A_157 = arith.constant 0 : i32
    %dma_start3A_158 = tpu.memref_slice %arg4[%add3A_149, %dma_start3A_157] : memref<8192x256xf32, #tpu.memory_space<hbm>> -> memref<64x256xf32, #tpu.memory_space<hbm>>
    %dma_start3A_159 = arith.constant 0 : i32
    %dma_start3A_160 = arith.constant 0 : i32
    %dma_start3A_161 = tpu.memref_slice %arg6[%dma_start3A_150, %dma_start3A_159, %dma_start3A_160] : memref<4x64x256xf32, #tpu.memory_space<vmem>> -> memref<1x64x256xf32, #tpu.memory_space<vmem>>
    %dma_start3A_162 = tpu.memref_squeeze %dma_start3A_161 : memref<1x64x256xf32, #tpu.memory_space<vmem>> -> memref<64x256xf32, #tpu.memory_space<vmem>>
    tpu.enqueue_dma source(%dma_start3A_162 : memref<64x256xf32, #tpu.memory_space<vmem>>) target(%dma_start3A_158 : memref<64x256xf32, #tpu.memory_space<hbm>>) target_semaphore(%arg11 : memref<!tpu.dma_semaphore, #tpu.memory_space<semaphore_mem>>)
    %dma_wait3A_163 = arith.constant 0 : i32
    %dma_wait3A_164 = arith.constant 0 : i32
    %dma_wait3A_165 = arith.constant 0 : i32
    %dma_wait3A_166 = tpu.memref_slice %arg6[%dma_wait3A_163, %dma_wait3A_164, %dma_wait3A_165] : memref<4x64x256xf32, #tpu.memory_space<vmem>> -> memref<1x64x256xf32, #tpu.memory_space<vmem>>
    %dma_wait3A_167 = tpu.memref_squeeze %dma_wait3A_166 : memref<1x64x256xf32, #tpu.memory_space<vmem>> -> memref<64x256xf32, #tpu.memory_space<vmem>>
    %dma_wait3A_168 = arith.constant 0 : i32
    %dma_wait3A_169 = tpu.memref_slice %arg4[%add3A_62, %dma_wait3A_168] : memref<8192x256xf32, #tpu.memory_space<hbm>> -> memref<64x256xf32, #tpu.memory_space<hbm>>
    %dma_wait3A_170 = arith.constant 0 : i32
    %dma_wait3A_171 = tpu.memref_slice %arg4[%add3A_62, %dma_wait3A_170] : memref<8192x256xf32, #tpu.memory_space<hbm>> -> memref<64x256xf32, #tpu.memory_space<hbm>>
    %dma_wait3A_172 = arith.constant 0 : i32
    %dma_wait3A_173 = arith.constant 0 : i32
    %dma_wait3A_174 = tpu.memref_slice %arg6[%dma_wait3A_163, %dma_wait3A_172, %dma_wait3A_173] : memref<4x64x256xf32, #tpu.memory_space<vmem>> -> memref<1x64x256xf32, #tpu.memory_space<vmem>>
    %dma_wait3A_175 = tpu.memref_squeeze %dma_wait3A_174 : memref<1x64x256xf32, #tpu.memory_space<vmem>> -> memref<64x256xf32, #tpu.memory_space<vmem>>
    tpu.wait_dma2 semaphore(%arg11 : memref<!tpu.dma_semaphore, #tpu.memory_space<semaphore_mem>>) src(%dma_wait3A_175 : memref<64x256xf32, #tpu.memory_space<vmem>>) dst(%dma_wait3A_171 : memref<64x256xf32, #tpu.memory_space<hbm>>)
    %dma_wait3A_176 = arith.constant 1 : i32
    %dma_wait3A_177 = arith.constant 0 : i32
    %dma_wait3A_178 = arith.constant 0 : i32
    %dma_wait3A_179 = tpu.memref_slice %arg6[%dma_wait3A_176, %dma_wait3A_177, %dma_wait3A_178] : memref<4x64x256xf32, #tpu.memory_space<vmem>> -> memref<1x64x256xf32, #tpu.memory_space<vmem>>
    %dma_wait3A_180 = tpu.memref_squeeze %dma_wait3A_179 : memref<1x64x256xf32, #tpu.memory_space<vmem>> -> memref<64x256xf32, #tpu.memory_space<vmem>>
    %dma_wait3A_181 = arith.constant 0 : i32
    %dma_wait3A_182 = tpu.memref_slice %arg4[%add3A_91, %dma_wait3A_181] : memref<8192x256xf32, #tpu.memory_space<hbm>> -> memref<64x256xf32, #tpu.memory_space<hbm>>
    %dma_wait3A_183 = arith.constant 0 : i32
    %dma_wait3A_184 = tpu.memref_slice %arg4[%add3A_91, %dma_wait3A_183] : memref<8192x256xf32, #tpu.memory_space<hbm>> -> memref<64x256xf32, #tpu.memory_space<hbm>>
    %dma_wait3A_185 = arith.constant 0 : i32
    %dma_wait3A_186 = arith.constant 0 : i32
    %dma_wait3A_187 = tpu.memref_slice %arg6[%dma_wait3A_176, %dma_wait3A_185, %dma_wait3A_186] : memref<4x64x256xf32, #tpu.memory_space<vmem>> -> memref<1x64x256xf32, #tpu.memory_space<vmem>>
    %dma_wait3A_188 = tpu.memref_squeeze %dma_wait3A_187 : memref<1x64x256xf32, #tpu.memory_space<vmem>> -> memref<64x256xf32, #tpu.memory_space<vmem>>
    tpu.wait_dma2 semaphore(%arg11 : memref<!tpu.dma_semaphore, #tpu.memory_space<semaphore_mem>>) src(%dma_wait3A_188 : memref<64x256xf32, #tpu.memory_space<vmem>>) dst(%dma_wait3A_184 : memref<64x256xf32, #tpu.memory_space<hbm>>)
    %dma_wait3A_189 = arith.constant 2 : i32
    %dma_wait3A_190 = arith.constant 0 : i32
    %dma_wait3A_191 = arith.constant 0 : i32
    %dma_wait3A_192 = tpu.memref_slice %arg6[%dma_wait3A_189, %dma_wait3A_190, %dma_wait3A_191] : memref<4x64x256xf32, #tpu.memory_space<vmem>> -> memref<1x64x256xf32, #tpu.memory_space<vmem>>
    %dma_wait3A_193 = tpu.memref_squeeze %dma_wait3A_192 : memref<1x64x256xf32, #tpu.memory_space<vmem>> -> memref<64x256xf32, #tpu.memory_space<vmem>>
    %dma_wait3A_194 = arith.constant 0 : i32
    %dma_wait3A_195 = tpu.memref_slice %arg4[%add3A_120, %dma_wait3A_194] : memref<8192x256xf32, #tpu.memory_space<hbm>> -> memref<64x256xf32, #tpu.memory_space<hbm>>
    %dma_wait3A_196 = arith.constant 0 : i32
    %dma_wait3A_197 = tpu.memref_slice %arg4[%add3A_120, %dma_wait3A_196] : memref<8192x256xf32, #tpu.memory_space<hbm>> -> memref<64x256xf32, #tpu.memory_space<hbm>>
    %dma_wait3A_198 = arith.constant 0 : i32
    %dma_wait3A_199 = arith.constant 0 : i32
    %dma_wait3A_200 = tpu.memref_slice %arg6[%dma_wait3A_189, %dma_wait3A_198, %dma_wait3A_199] : memref<4x64x256xf32, #tpu.memory_space<vmem>> -> memref<1x64x256xf32, #tpu.memory_space<vmem>>
    %dma_wait3A_201 = tpu.memref_squeeze %dma_wait3A_200 : memref<1x64x256xf32, #tpu.memory_space<vmem>> -> memref<64x256xf32, #tpu.memory_space<vmem>>
    tpu.wait_dma2 semaphore(%arg11 : memref<!tpu.dma_semaphore, #tpu.memory_space<semaphore_mem>>) src(%dma_wait3A_201 : memref<64x256xf32, #tpu.memory_space<vmem>>) dst(%dma_wait3A_197 : memref<64x256xf32, #tpu.memory_space<hbm>>)
    %dma_wait3A_202 = arith.constant 3 : i32
    %dma_wait3A_203 = arith.constant 0 : i32
    %dma_wait3A_204 = arith.constant 0 : i32
    %dma_wait3A_205 = tpu.memref_slice %arg6[%dma_wait3A_202, %dma_wait3A_203, %dma_wait3A_204] : memref<4x64x256xf32, #tpu.memory_space<vmem>> -> memref<1x64x256xf32, #tpu.memory_space<vmem>>
    %dma_wait3A_206 = tpu.memref_squeeze %dma_wait3A_205 : memref<1x64x256xf32, #tpu.memory_space<vmem>> -> memref<64x256xf32, #tpu.memory_space<vmem>>
    %dma_wait3A_207 = arith.constant 0 : i32
    %dma_wait3A_208 = tpu.memref_slice %arg4[%add3A_149, %dma_wait3A_207] : memref<8192x256xf32, #tpu.memory_space<hbm>> -> memref<64x256xf32, #tpu.memory_space<hbm>>
    %dma_wait3A_209 = arith.constant 0 : i32
    %dma_wait3A_210 = tpu.memref_slice %arg4[%add3A_149, %dma_wait3A_209] : memref<8192x256xf32, #tpu.memory_space<hbm>> -> memref<64x256xf32, #tpu.memory_space<hbm>>
    %dma_wait3A_211 = arith.constant 0 : i32
    %dma_wait3A_212 = arith.constant 0 : i32
    %dma_wait3A_213 = tpu.memref_slice %arg6[%dma_wait3A_202, %dma_wait3A_211, %dma_wait3A_212] : memref<4x64x256xf32, #tpu.memory_space<vmem>> -> memref<1x64x256xf32, #tpu.memory_space<vmem>>
    %dma_wait3A_214 = tpu.memref_squeeze %dma_wait3A_213 : memref<1x64x256xf32, #tpu.memory_space<vmem>> -> memref<64x256xf32, #tpu.memory_space<vmem>>
    tpu.wait_dma2 semaphore(%arg11 : memref<!tpu.dma_semaphore, #tpu.memory_space<semaphore_mem>>) src(%dma_wait3A_214 : memref<64x256xf32, #tpu.memory_space<vmem>>) dst(%dma_wait3A_210 : memref<64x256xf32, #tpu.memory_space<hbm>>)
    return
  }
}

module attributes {stable_mosaic.version = 14 : i64} {
  func.func @_argmin_body(%arg0: i32, %arg1: memref<1024x256xf32, #tpu.memory_space<vmem>>, %arg2: memref<256x8192xf32, #tpu.memory_space<vmem>>, %arg3: memref<1x1x1024xi32, #tpu.memory_space<vmem>>, %arg4: memref<1x1xf32, #tpu.memory_space<vmem>>, %arg5: memref<256x8192xf32, #tpu.memory_space<vmem>>, %arg6: memref<1x8192xf32, #tpu.memory_space<vmem>>) attributes {dimension_semantics = [#tpu.dimension_semantics<arbitrary>], iteration_bounds = array<i64: 8>, scalar_prefetch = 0 : i64, scratch_operands = 2 : i64, tpu.core_type = #tpu.core_type<tc>, window_params = [{transform_indices = @transform_0, window_bounds = array<i64: 1024, 256>}, {pipeline_mode = #tpu.pipeline_mode<synchronous>, transform_indices = @transform_1, window_bounds = array<i64: 256, 8192>}, {transform_indices = @transform_2, window_bounds = array<i64: 1, 1, 1024>}, {pipeline_mode = #tpu.pipeline_mode<synchronous>, transform_indices = @transform_3, window_bounds = array<i64: 1, 1>}]} {
    %eq3A = arith.constant 0 : i32
    %eq3A_0 = arith.cmpi eq, %arg0, %eq3A : i32
    %convert_element_type3A = arith.extui %eq3A_0 : i1 to i32
    %cond3A = arith.constant 0 : i32
    %cond3A_1 = arith.cmpi ne, %convert_element_type3A, %cond3A : i32
    scf.if %cond3A_1 {
      %get3A_251 = arith.constant 0 : index
      %get3A_252 = arith.constant 0 : index
      %get3A_253 = vector.load %arg2[%get3A_251, %get3A_252] : memref<256x8192xf32, #tpu.memory_space<vmem>>, vector<256x8192xf32>
      %mul3A_254 = arith.constant -2.000000e+00 : f32
      %mul3A_255 = vector.broadcast %mul3A_254 : f32 to vector<256x8192xf32>
      %mul3A_256 = arith.mulf %get3A_253, %mul3A_255 : vector<256x8192xf32>
      %swap3A_257 = arith.constant 0 : index
      %swap3A_258 = arith.constant 0 : index
      %swap3A_259 = vector.load %arg5[%swap3A_257, %swap3A_258] : memref<256x8192xf32, #tpu.memory_space<vmem>>, vector<256x8192xf32>
      tpu.vector_store %arg5[%swap3A_257, %swap3A_258], %mul3A_256 {strides = array<i32>} : memref<256x8192xf32, #tpu.memory_space<vmem>>, vector<256x8192xf32>,
      %mul3A_260 = arith.mulf %get3A_253, %get3A_253 : vector<256x8192xf32>
      %reduce_sum3A_261 = arith.constant dense<0.000000e+00> : vector<8192xf32>
      %reduce_sum3A_262 = vector.multi_reduction <add>, %mul3A_260, %reduce_sum3A_261 [0] : vector<256x8192xf32> to vector<8192xf32>
      %broadcast_in_dim3A_263 = vector.shape_cast %reduce_sum3A_262 : vector<8192xf32> to vector<1x8192xf32>
      %swap3A_264 = arith.constant 0 : index
      %swap3A_265 = arith.constant 0 : index
      %swap3A_266 = vector.load %arg6[%swap3A_264, %swap3A_265] : memref<1x8192xf32, #tpu.memory_space<vmem>>, vector<1x8192xf32>
      tpu.vector_store %arg6[%swap3A_264, %swap3A_265], %broadcast_in_dim3A_263 {strides = array<i32>} : memref<1x8192xf32, #tpu.memory_space<vmem>>, vector<1x8192xf32>,
      %broadcast_in_dim3A_267 = arith.constant 0.000000e+00 : f32
      %broadcast_in_dim3A_268 = vector.broadcast %broadcast_in_dim3A_267 : f32 to vector<1x1xf32>
      %swap3A_269 = arith.constant 0 : index
      %swap3A_270 = arith.constant 0 : index
      %swap3A_271 = vector.load %arg4[%swap3A_269, %swap3A_270] : memref<1x1xf32, #tpu.memory_space<vmem>>, vector<1x1xf32>
      tpu.vector_store %arg4[%swap3A_269, %swap3A_270], %broadcast_in_dim3A_268 {strides = array<i32>} : memref<1x1xf32, #tpu.memory_space<vmem>>, vector<1x1xf32>,
    } else {
    }
    %get3A = arith.constant 0 : index
    %get3A_2 = arith.constant 0 : index
    %get3A_3 = vector.load %arg1[%get3A, %get3A_2] : memref<1024x256xf32, #tpu.memory_space<vmem>>, vector<1024x256xf32>
    %mul3A = arith.mulf %get3A_3, %get3A_3 : vector<1024x256xf32>
    %reduce_sum3A = arith.constant dense<0.000000e+00> : vector<1024xf32>
    %reduce_sum3A_4 = vector.multi_reduction <add>, %mul3A, %reduce_sum3A [1] : vector<1024x256xf32> to vector<1024xf32>
    %broadcast_in_dim3A = vector.shape_cast %reduce_sum3A_4 : vector<1024xf32> to vector<1024x1xf32>
    %iota3A = tpu.iota {dimensions = array<i32: 1>} : vector<1024x1024xi32>
    %convert_element_type3A_5 = arith.sitofp %iota3A : vector<1024x1024xi32> to vector<1024x1024xf32>
    %get3A_6 = arith.constant 0 : index
    %get3A_7 = arith.constant 0 : index
    %get3A_8 = vector.load %arg5[%get3A_6, %get3A_7] : memref<256x8192xf32, #tpu.memory_space<vmem>>, vector<256x1024xf32>
    %dot_general3A = arith.constant dense<0.000000e+00> : vector<1024x1024xf32>
    %dot_general3A_9 = tpu.matmul %get3A_3, %get3A_8, %dot_general3A {dimension_numbers = #tpu.dot_dimension_numbers<[1], [0], [0], [1], [0, 0, 1, 1], [], []>, transpose_lhs_hint = false} : vector<1024x256xf32>, vector<256x1024xf32>, vector<1024x1024xf32> -> vector<1024x1024xf32>
    %get3A_10 = arith.constant 0 : index
    %get3A_11 = arith.constant 0 : index
    %get3A_12 = vector.load %arg6[%get3A_10, %get3A_11] : memref<1x8192xf32, #tpu.memory_space<vmem>>, vector<1x1024xf32>
    %add3A = vector.broadcast %broadcast_in_dim3A : vector<1024x1xf32> to vector<1024x1024xf32>
    %add3A_13 = vector.broadcast %get3A_12 : vector<1x1024xf32> to vector<1024x1024xf32>
    %add3A_14 = arith.addf %add3A, %add3A_13 : vector<1024x1024xf32>
    %add3A_15 = arith.addf %add3A_14, %dot_general3A_9 : vector<1024x1024xf32>
    %reduce_min3A = arith.constant dense<0x7F800000> : vector<1024xf32>
    %reduce_min3A_16 = vector.multi_reduction <minimumf>, %add3A_15, %reduce_min3A [1] : vector<1024x1024xf32> to vector<1024xf32>
    %broadcast_in_dim3A_17 = vector.shape_cast %reduce_min3A_16 : vector<1024xf32> to vector<1024x1xf32>
    %eq3A_18 = vector.broadcast %broadcast_in_dim3A_17 : vector<1024x1xf32> to vector<1024x1024xf32>
    %eq3A_19 = arith.cmpf oeq, %add3A_15, %eq3A_18 : vector<1024x1024xf32>
    %jit3A = arith.constant 1.000000e+09 : f32
    %broadcast_in_dim3A_20 = vector.broadcast %jit3A : f32 to vector<1024x1024xf32>
    %select_n3A = arith.select %eq3A_19, %convert_element_type3A_5, %broadcast_in_dim3A_20 : vector<1024x1024xi1>, vector<1024x1024xf32>
    %reduce_min3A_21 = arith.constant dense<0x7F800000> : vector<1024xf32>
    %reduce_min3A_22 = vector.multi_reduction <minimumf>, %select_n3A, %reduce_min3A_21 [1] : vector<1024x1024xf32> to vector<1024xf32>
    %broadcast_in_dim3A_23 = vector.shape_cast %reduce_min3A_22 : vector<1024xf32> to vector<1024x1xf32>
    %add3A_24 = arith.constant 0.000000e+00 : f32
    %add3A_25 = vector.broadcast %add3A_24 : f32 to vector<1024x1xf32>
    %add3A_26 = arith.addf %broadcast_in_dim3A_23, %add3A_25 : vector<1024x1xf32>
    %get3A_27 = arith.constant 0 : index
    %get3A_28 = arith.constant 1024 : index
    %get3A_29 = vector.load %arg5[%get3A_27, %get3A_28] : memref<256x8192xf32, #tpu.memory_space<vmem>>, vector<256x1024xf32>
    %dot_general3A_30 = arith.constant dense<0.000000e+00> : vector<1024x1024xf32>
    %dot_general3A_31 = tpu.matmul %get3A_3, %get3A_29, %dot_general3A_30 {dimension_numbers = #tpu.dot_dimension_numbers<[1], [0], [0], [1], [0, 0, 1, 1], [], []>, transpose_lhs_hint = false} : vector<1024x256xf32>, vector<256x1024xf32>, vector<1024x1024xf32> -> vector<1024x1024xf32>
    %get3A_32 = arith.constant 0 : index
    %get3A_33 = arith.constant 1024 : index
    %get3A_34 = vector.load %arg6[%get3A_32, %get3A_33] : memref<1x8192xf32, #tpu.memory_space<vmem>>, vector<1x1024xf32>
    %add3A_35 = vector.broadcast %broadcast_in_dim3A : vector<1024x1xf32> to vector<1024x1024xf32>
    %add3A_36 = vector.broadcast %get3A_34 : vector<1x1024xf32> to vector<1024x1024xf32>
    %add3A_37 = arith.addf %add3A_35, %add3A_36 : vector<1024x1024xf32>
    %add3A_38 = arith.addf %add3A_37, %dot_general3A_31 : vector<1024x1024xf32>
    %reduce_min3A_39 = arith.constant dense<0x7F800000> : vector<1024xf32>
    %reduce_min3A_40 = vector.multi_reduction <minimumf>, %add3A_38, %reduce_min3A_39 [1] : vector<1024x1024xf32> to vector<1024xf32>
    %broadcast_in_dim3A_41 = vector.shape_cast %reduce_min3A_40 : vector<1024xf32> to vector<1024x1xf32>
    %eq3A_42 = vector.broadcast %broadcast_in_dim3A_41 : vector<1024x1xf32> to vector<1024x1024xf32>
    %eq3A_43 = arith.cmpf oeq, %add3A_38, %eq3A_42 : vector<1024x1024xf32>
    %jit3A_44 = arith.constant 1.000000e+09 : f32
    %broadcast_in_dim3A_45 = vector.broadcast %jit3A_44 : f32 to vector<1024x1024xf32>
    %select_n3A_46 = arith.select %eq3A_43, %convert_element_type3A_5, %broadcast_in_dim3A_45 : vector<1024x1024xi1>, vector<1024x1024xf32>
    %reduce_min3A_47 = arith.constant dense<0x7F800000> : vector<1024xf32>
    %reduce_min3A_48 = vector.multi_reduction <minimumf>, %select_n3A_46, %reduce_min3A_47 [1] : vector<1024x1024xf32> to vector<1024xf32>
    %broadcast_in_dim3A_49 = vector.shape_cast %reduce_min3A_48 : vector<1024xf32> to vector<1024x1xf32>
    %add3A_50 = arith.constant 1.024000e+03 : f32
    %add3A_51 = vector.broadcast %add3A_50 : f32 to vector<1024x1xf32>
    %add3A_52 = arith.addf %broadcast_in_dim3A_49, %add3A_51 : vector<1024x1xf32>
    %lt3A = arith.cmpf olt, %broadcast_in_dim3A_41, %broadcast_in_dim3A_17 : vector<1024x1xf32>
    %select_n3A_53 = arith.select %lt3A, %broadcast_in_dim3A_41, %broadcast_in_dim3A_17 : vector<1024x1xi1>, vector<1024x1xf32>
    %select_n3A_54 = arith.select %lt3A, %add3A_52, %add3A_26 : vector<1024x1xi1>, vector<1024x1xf32>
    %get3A_55 = arith.constant 0 : index
    %get3A_56 = arith.constant 2048 : index
    %get3A_57 = vector.load %arg5[%get3A_55, %get3A_56] : memref<256x8192xf32, #tpu.memory_space<vmem>>, vector<256x1024xf32>
    %dot_general3A_58 = arith.constant dense<0.000000e+00> : vector<1024x1024xf32>
    %dot_general3A_59 = tpu.matmul %get3A_3, %get3A_57, %dot_general3A_58 {dimension_numbers = #tpu.dot_dimension_numbers<[1], [0], [0], [1], [0, 0, 1, 1], [], []>, transpose_lhs_hint = false} : vector<1024x256xf32>, vector<256x1024xf32>, vector<1024x1024xf32> -> vector<1024x1024xf32>
    %get3A_60 = arith.constant 0 : index
    %get3A_61 = arith.constant 2048 : index
    %get3A_62 = vector.load %arg6[%get3A_60, %get3A_61] : memref<1x8192xf32, #tpu.memory_space<vmem>>, vector<1x1024xf32>
    %add3A_63 = vector.broadcast %broadcast_in_dim3A : vector<1024x1xf32> to vector<1024x1024xf32>
    %add3A_64 = vector.broadcast %get3A_62 : vector<1x1024xf32> to vector<1024x1024xf32>
    %add3A_65 = arith.addf %add3A_63, %add3A_64 : vector<1024x1024xf32>
    %add3A_66 = arith.addf %add3A_65, %dot_general3A_59 : vector<1024x1024xf32>
    %reduce_min3A_67 = arith.constant dense<0x7F800000> : vector<1024xf32>
    %reduce_min3A_68 = vector.multi_reduction <minimumf>, %add3A_66, %reduce_min3A_67 [1] : vector<1024x1024xf32> to vector<1024xf32>
    %broadcast_in_dim3A_69 = vector.shape_cast %reduce_min3A_68 : vector<1024xf32> to vector<1024x1xf32>
    %eq3A_70 = vector.broadcast %broadcast_in_dim3A_69 : vector<1024x1xf32> to vector<1024x1024xf32>
    %eq3A_71 = arith.cmpf oeq, %add3A_66, %eq3A_70 : vector<1024x1024xf32>
    %jit3A_72 = arith.constant 1.000000e+09 : f32
    %broadcast_in_dim3A_73 = vector.broadcast %jit3A_72 : f32 to vector<1024x1024xf32>
    %select_n3A_74 = arith.select %eq3A_71, %convert_element_type3A_5, %broadcast_in_dim3A_73 : vector<1024x1024xi1>, vector<1024x1024xf32>
    %reduce_min3A_75 = arith.constant dense<0x7F800000> : vector<1024xf32>
    %reduce_min3A_76 = vector.multi_reduction <minimumf>, %select_n3A_74, %reduce_min3A_75 [1] : vector<1024x1024xf32> to vector<1024xf32>
    %broadcast_in_dim3A_77 = vector.shape_cast %reduce_min3A_76 : vector<1024xf32> to vector<1024x1xf32>
    %add3A_78 = arith.constant 2.048000e+03 : f32
    %add3A_79 = vector.broadcast %add3A_78 : f32 to vector<1024x1xf32>
    %add3A_80 = arith.addf %broadcast_in_dim3A_77, %add3A_79 : vector<1024x1xf32>
    %lt3A_81 = arith.cmpf olt, %broadcast_in_dim3A_69, %select_n3A_53 : vector<1024x1xf32>
    %select_n3A_82 = arith.select %lt3A_81, %broadcast_in_dim3A_69, %select_n3A_53 : vector<1024x1xi1>, vector<1024x1xf32>
    %select_n3A_83 = arith.select %lt3A_81, %add3A_80, %select_n3A_54 : vector<1024x1xi1>, vector<1024x1xf32>
    %get3A_84 = arith.constant 0 : index
    %get3A_85 = arith.constant 3072 : index
    %get3A_86 = vector.load %arg5[%get3A_84, %get3A_85] : memref<256x8192xf32, #tpu.memory_space<vmem>>, vector<256x1024xf32>
    %dot_general3A_87 = arith.constant dense<0.000000e+00> : vector<1024x1024xf32>
    %dot_general3A_88 = tpu.matmul %get3A_3, %get3A_86, %dot_general3A_87 {dimension_numbers = #tpu.dot_dimension_numbers<[1], [0], [0], [1], [0, 0, 1, 1], [], []>, transpose_lhs_hint = false} : vector<1024x256xf32>, vector<256x1024xf32>, vector<1024x1024xf32> -> vector<1024x1024xf32>
    %get3A_89 = arith.constant 0 : index
    %get3A_90 = arith.constant 3072 : index
    %get3A_91 = vector.load %arg6[%get3A_89, %get3A_90] : memref<1x8192xf32, #tpu.memory_space<vmem>>, vector<1x1024xf32>
    %add3A_92 = vector.broadcast %broadcast_in_dim3A : vector<1024x1xf32> to vector<1024x1024xf32>
    %add3A_93 = vector.broadcast %get3A_91 : vector<1x1024xf32> to vector<1024x1024xf32>
    %add3A_94 = arith.addf %add3A_92, %add3A_93 : vector<1024x1024xf32>
    %add3A_95 = arith.addf %add3A_94, %dot_general3A_88 : vector<1024x1024xf32>
    %reduce_min3A_96 = arith.constant dense<0x7F800000> : vector<1024xf32>
    %reduce_min3A_97 = vector.multi_reduction <minimumf>, %add3A_95, %reduce_min3A_96 [1] : vector<1024x1024xf32> to vector<1024xf32>
    %broadcast_in_dim3A_98 = vector.shape_cast %reduce_min3A_97 : vector<1024xf32> to vector<1024x1xf32>
    %eq3A_99 = vector.broadcast %broadcast_in_dim3A_98 : vector<1024x1xf32> to vector<1024x1024xf32>
    %eq3A_100 = arith.cmpf oeq, %add3A_95, %eq3A_99 : vector<1024x1024xf32>
    %jit3A_101 = arith.constant 1.000000e+09 : f32
    %broadcast_in_dim3A_102 = vector.broadcast %jit3A_101 : f32 to vector<1024x1024xf32>
    %select_n3A_103 = arith.select %eq3A_100, %convert_element_type3A_5, %broadcast_in_dim3A_102 : vector<1024x1024xi1>, vector<1024x1024xf32>
    %reduce_min3A_104 = arith.constant dense<0x7F800000> : vector<1024xf32>
    %reduce_min3A_105 = vector.multi_reduction <minimumf>, %select_n3A_103, %reduce_min3A_104 [1] : vector<1024x1024xf32> to vector<1024xf32>
    %broadcast_in_dim3A_106 = vector.shape_cast %reduce_min3A_105 : vector<1024xf32> to vector<1024x1xf32>
    %add3A_107 = arith.constant 3.072000e+03 : f32
    %add3A_108 = vector.broadcast %add3A_107 : f32 to vector<1024x1xf32>
    %add3A_109 = arith.addf %broadcast_in_dim3A_106, %add3A_108 : vector<1024x1xf32>
    %lt3A_110 = arith.cmpf olt, %broadcast_in_dim3A_98, %select_n3A_82 : vector<1024x1xf32>
    %select_n3A_111 = arith.select %lt3A_110, %broadcast_in_dim3A_98, %select_n3A_82 : vector<1024x1xi1>, vector<1024x1xf32>
    %select_n3A_112 = arith.select %lt3A_110, %add3A_109, %select_n3A_83 : vector<1024x1xi1>, vector<1024x1xf32>
    %get3A_113 = arith.constant 0 : index
    %get3A_114 = arith.constant 4096 : index
    %get3A_115 = vector.load %arg5[%get3A_113, %get3A_114] : memref<256x8192xf32, #tpu.memory_space<vmem>>, vector<256x1024xf32>
    %dot_general3A_116 = arith.constant dense<0.000000e+00> : vector<1024x1024xf32>
    %dot_general3A_117 = tpu.matmul %get3A_3, %get3A_115, %dot_general3A_116 {dimension_numbers = #tpu.dot_dimension_numbers<[1], [0], [0], [1], [0, 0, 1, 1], [], []>, transpose_lhs_hint = false} : vector<1024x256xf32>, vector<256x1024xf32>, vector<1024x1024xf32> -> vector<1024x1024xf32>
    %get3A_118 = arith.constant 0 : index
    %get3A_119 = arith.constant 4096 : index
    %get3A_120 = vector.load %arg6[%get3A_118, %get3A_119] : memref<1x8192xf32, #tpu.memory_space<vmem>>, vector<1x1024xf32>
    %add3A_121 = vector.broadcast %broadcast_in_dim3A : vector<1024x1xf32> to vector<1024x1024xf32>
    %add3A_122 = vector.broadcast %get3A_120 : vector<1x1024xf32> to vector<1024x1024xf32>
    %add3A_123 = arith.addf %add3A_121, %add3A_122 : vector<1024x1024xf32>
    %add3A_124 = arith.addf %add3A_123, %dot_general3A_117 : vector<1024x1024xf32>
    %reduce_min3A_125 = arith.constant dense<0x7F800000> : vector<1024xf32>
    %reduce_min3A_126 = vector.multi_reduction <minimumf>, %add3A_124, %reduce_min3A_125 [1] : vector<1024x1024xf32> to vector<1024xf32>
    %broadcast_in_dim3A_127 = vector.shape_cast %reduce_min3A_126 : vector<1024xf32> to vector<1024x1xf32>
    %eq3A_128 = vector.broadcast %broadcast_in_dim3A_127 : vector<1024x1xf32> to vector<1024x1024xf32>
    %eq3A_129 = arith.cmpf oeq, %add3A_124, %eq3A_128 : vector<1024x1024xf32>
    %jit3A_130 = arith.constant 1.000000e+09 : f32
    %broadcast_in_dim3A_131 = vector.broadcast %jit3A_130 : f32 to vector<1024x1024xf32>
    %select_n3A_132 = arith.select %eq3A_129, %convert_element_type3A_5, %broadcast_in_dim3A_131 : vector<1024x1024xi1>, vector<1024x1024xf32>
    %reduce_min3A_133 = arith.constant dense<0x7F800000> : vector<1024xf32>
    %reduce_min3A_134 = vector.multi_reduction <minimumf>, %select_n3A_132, %reduce_min3A_133 [1] : vector<1024x1024xf32> to vector<1024xf32>
    %broadcast_in_dim3A_135 = vector.shape_cast %reduce_min3A_134 : vector<1024xf32> to vector<1024x1xf32>
    %add3A_136 = arith.constant 4.096000e+03 : f32
    %add3A_137 = vector.broadcast %add3A_136 : f32 to vector<1024x1xf32>
    %add3A_138 = arith.addf %broadcast_in_dim3A_135, %add3A_137 : vector<1024x1xf32>
    %lt3A_139 = arith.cmpf olt, %broadcast_in_dim3A_127, %select_n3A_111 : vector<1024x1xf32>
    %select_n3A_140 = arith.select %lt3A_139, %broadcast_in_dim3A_127, %select_n3A_111 : vector<1024x1xi1>, vector<1024x1xf32>
    %select_n3A_141 = arith.select %lt3A_139, %add3A_138, %select_n3A_112 : vector<1024x1xi1>, vector<1024x1xf32>
    %get3A_142 = arith.constant 0 : index
    %get3A_143 = arith.constant 5120 : index
    %get3A_144 = vector.load %arg5[%get3A_142, %get3A_143] : memref<256x8192xf32, #tpu.memory_space<vmem>>, vector<256x1024xf32>
    %dot_general3A_145 = arith.constant dense<0.000000e+00> : vector<1024x1024xf32>
    %dot_general3A_146 = tpu.matmul %get3A_3, %get3A_144, %dot_general3A_145 {dimension_numbers = #tpu.dot_dimension_numbers<[1], [0], [0], [1], [0, 0, 1, 1], [], []>, transpose_lhs_hint = false} : vector<1024x256xf32>, vector<256x1024xf32>, vector<1024x1024xf32> -> vector<1024x1024xf32>
    %get3A_147 = arith.constant 0 : index
    %get3A_148 = arith.constant 5120 : index
    %get3A_149 = vector.load %arg6[%get3A_147, %get3A_148] : memref<1x8192xf32, #tpu.memory_space<vmem>>, vector<1x1024xf32>
    %add3A_150 = vector.broadcast %broadcast_in_dim3A : vector<1024x1xf32> to vector<1024x1024xf32>
    %add3A_151 = vector.broadcast %get3A_149 : vector<1x1024xf32> to vector<1024x1024xf32>
    %add3A_152 = arith.addf %add3A_150, %add3A_151 : vector<1024x1024xf32>
    %add3A_153 = arith.addf %add3A_152, %dot_general3A_146 : vector<1024x1024xf32>
    %reduce_min3A_154 = arith.constant dense<0x7F800000> : vector<1024xf32>
    %reduce_min3A_155 = vector.multi_reduction <minimumf>, %add3A_153, %reduce_min3A_154 [1] : vector<1024x1024xf32> to vector<1024xf32>
    %broadcast_in_dim3A_156 = vector.shape_cast %reduce_min3A_155 : vector<1024xf32> to vector<1024x1xf32>
    %eq3A_157 = vector.broadcast %broadcast_in_dim3A_156 : vector<1024x1xf32> to vector<1024x1024xf32>
    %eq3A_158 = arith.cmpf oeq, %add3A_153, %eq3A_157 : vector<1024x1024xf32>
    %jit3A_159 = arith.constant 1.000000e+09 : f32
    %broadcast_in_dim3A_160 = vector.broadcast %jit3A_159 : f32 to vector<1024x1024xf32>
    %select_n3A_161 = arith.select %eq3A_158, %convert_element_type3A_5, %broadcast_in_dim3A_160 : vector<1024x1024xi1>, vector<1024x1024xf32>
    %reduce_min3A_162 = arith.constant dense<0x7F800000> : vector<1024xf32>
    %reduce_min3A_163 = vector.multi_reduction <minimumf>, %select_n3A_161, %reduce_min3A_162 [1] : vector<1024x1024xf32> to vector<1024xf32>
    %broadcast_in_dim3A_164 = vector.shape_cast %reduce_min3A_163 : vector<1024xf32> to vector<1024x1xf32>
    %add3A_165 = arith.constant 5.120000e+03 : f32
    %add3A_166 = vector.broadcast %add3A_165 : f32 to vector<1024x1xf32>
    %add3A_167 = arith.addf %broadcast_in_dim3A_164, %add3A_166 : vector<1024x1xf32>
    %lt3A_168 = arith.cmpf olt, %broadcast_in_dim3A_156, %select_n3A_140 : vector<1024x1xf32>
    %select_n3A_169 = arith.select %lt3A_168, %broadcast_in_dim3A_156, %select_n3A_140 : vector<1024x1xi1>, vector<1024x1xf32>
    %select_n3A_170 = arith.select %lt3A_168, %add3A_167, %select_n3A_141 : vector<1024x1xi1>, vector<1024x1xf32>
    %get3A_171 = arith.constant 0 : index
    %get3A_172 = arith.constant 6144 : index
    %get3A_173 = vector.load %arg5[%get3A_171, %get3A_172] : memref<256x8192xf32, #tpu.memory_space<vmem>>, vector<256x1024xf32>
    %dot_general3A_174 = arith.constant dense<0.000000e+00> : vector<1024x1024xf32>
    %dot_general3A_175 = tpu.matmul %get3A_3, %get3A_173, %dot_general3A_174 {dimension_numbers = #tpu.dot_dimension_numbers<[1], [0], [0], [1], [0, 0, 1, 1], [], []>, transpose_lhs_hint = false} : vector<1024x256xf32>, vector<256x1024xf32>, vector<1024x1024xf32> -> vector<1024x1024xf32>
    %get3A_176 = arith.constant 0 : index
    %get3A_177 = arith.constant 6144 : index
    %get3A_178 = vector.load %arg6[%get3A_176, %get3A_177] : memref<1x8192xf32, #tpu.memory_space<vmem>>, vector<1x1024xf32>
    %add3A_179 = vector.broadcast %broadcast_in_dim3A : vector<1024x1xf32> to vector<1024x1024xf32>
    %add3A_180 = vector.broadcast %get3A_178 : vector<1x1024xf32> to vector<1024x1024xf32>
    %add3A_181 = arith.addf %add3A_179, %add3A_180 : vector<1024x1024xf32>
    %add3A_182 = arith.addf %add3A_181, %dot_general3A_175 : vector<1024x1024xf32>
    %reduce_min3A_183 = arith.constant dense<0x7F800000> : vector<1024xf32>
    %reduce_min3A_184 = vector.multi_reduction <minimumf>, %add3A_182, %reduce_min3A_183 [1] : vector<1024x1024xf32> to vector<1024xf32>
    %broadcast_in_dim3A_185 = vector.shape_cast %reduce_min3A_184 : vector<1024xf32> to vector<1024x1xf32>
    %eq3A_186 = vector.broadcast %broadcast_in_dim3A_185 : vector<1024x1xf32> to vector<1024x1024xf32>
    %eq3A_187 = arith.cmpf oeq, %add3A_182, %eq3A_186 : vector<1024x1024xf32>
    %jit3A_188 = arith.constant 1.000000e+09 : f32
    %broadcast_in_dim3A_189 = vector.broadcast %jit3A_188 : f32 to vector<1024x1024xf32>
    %select_n3A_190 = arith.select %eq3A_187, %convert_element_type3A_5, %broadcast_in_dim3A_189 : vector<1024x1024xi1>, vector<1024x1024xf32>
    %reduce_min3A_191 = arith.constant dense<0x7F800000> : vector<1024xf32>
    %reduce_min3A_192 = vector.multi_reduction <minimumf>, %select_n3A_190, %reduce_min3A_191 [1] : vector<1024x1024xf32> to vector<1024xf32>
    %broadcast_in_dim3A_193 = vector.shape_cast %reduce_min3A_192 : vector<1024xf32> to vector<1024x1xf32>
    %add3A_194 = arith.constant 6.144000e+03 : f32
    %add3A_195 = vector.broadcast %add3A_194 : f32 to vector<1024x1xf32>
    %add3A_196 = arith.addf %broadcast_in_dim3A_193, %add3A_195 : vector<1024x1xf32>
    %lt3A_197 = arith.cmpf olt, %broadcast_in_dim3A_185, %select_n3A_169 : vector<1024x1xf32>
    %select_n3A_198 = arith.select %lt3A_197, %broadcast_in_dim3A_185, %select_n3A_169 : vector<1024x1xi1>, vector<1024x1xf32>
    %select_n3A_199 = arith.select %lt3A_197, %add3A_196, %select_n3A_170 : vector<1024x1xi1>, vector<1024x1xf32>
    %get3A_200 = arith.constant 0 : index
    %get3A_201 = arith.constant 7168 : index
    %get3A_202 = vector.load %arg5[%get3A_200, %get3A_201] : memref<256x8192xf32, #tpu.memory_space<vmem>>, vector<256x1024xf32>
    %dot_general3A_203 = arith.constant dense<0.000000e+00> : vector<1024x1024xf32>
    %dot_general3A_204 = tpu.matmul %get3A_3, %get3A_202, %dot_general3A_203 {dimension_numbers = #tpu.dot_dimension_numbers<[1], [0], [0], [1], [0, 0, 1, 1], [], []>, transpose_lhs_hint = false} : vector<1024x256xf32>, vector<256x1024xf32>, vector<1024x1024xf32> -> vector<1024x1024xf32>
    %get3A_205 = arith.constant 0 : index
    %get3A_206 = arith.constant 7168 : index
    %get3A_207 = vector.load %arg6[%get3A_205, %get3A_206] : memref<1x8192xf32, #tpu.memory_space<vmem>>, vector<1x1024xf32>
    %add3A_208 = vector.broadcast %broadcast_in_dim3A : vector<1024x1xf32> to vector<1024x1024xf32>
    %add3A_209 = vector.broadcast %get3A_207 : vector<1x1024xf32> to vector<1024x1024xf32>
    %add3A_210 = arith.addf %add3A_208, %add3A_209 : vector<1024x1024xf32>
    %add3A_211 = arith.addf %add3A_210, %dot_general3A_204 : vector<1024x1024xf32>
    %reduce_min3A_212 = arith.constant dense<0x7F800000> : vector<1024xf32>
    %reduce_min3A_213 = vector.multi_reduction <minimumf>, %add3A_211, %reduce_min3A_212 [1] : vector<1024x1024xf32> to vector<1024xf32>
    %broadcast_in_dim3A_214 = vector.shape_cast %reduce_min3A_213 : vector<1024xf32> to vector<1024x1xf32>
    %eq3A_215 = vector.broadcast %broadcast_in_dim3A_214 : vector<1024x1xf32> to vector<1024x1024xf32>
    %eq3A_216 = arith.cmpf oeq, %add3A_211, %eq3A_215 : vector<1024x1024xf32>
    %jit3A_217 = arith.constant 1.000000e+09 : f32
    %broadcast_in_dim3A_218 = vector.broadcast %jit3A_217 : f32 to vector<1024x1024xf32>
    %select_n3A_219 = arith.select %eq3A_216, %convert_element_type3A_5, %broadcast_in_dim3A_218 : vector<1024x1024xi1>, vector<1024x1024xf32>
    %reduce_min3A_220 = arith.constant dense<0x7F800000> : vector<1024xf32>
    %reduce_min3A_221 = vector.multi_reduction <minimumf>, %select_n3A_219, %reduce_min3A_220 [1] : vector<1024x1024xf32> to vector<1024xf32>
    %broadcast_in_dim3A_222 = vector.shape_cast %reduce_min3A_221 : vector<1024xf32> to vector<1024x1xf32>
    %add3A_223 = arith.constant 7.168000e+03 : f32
    %add3A_224 = vector.broadcast %add3A_223 : f32 to vector<1024x1xf32>
    %add3A_225 = arith.addf %broadcast_in_dim3A_222, %add3A_224 : vector<1024x1xf32>
    %lt3A_226 = arith.cmpf olt, %broadcast_in_dim3A_214, %select_n3A_198 : vector<1024x1xf32>
    %select_n3A_227 = arith.select %lt3A_226, %broadcast_in_dim3A_214, %select_n3A_198 : vector<1024x1xi1>, vector<1024x1xf32>
    %select_n3A_228 = arith.select %lt3A_226, %add3A_225, %select_n3A_199 : vector<1024x1xi1>, vector<1024x1xf32>
    %convert_element_type3A_229 = arith.fptosi %select_n3A_228 : vector<1024x1xf32> to vector<1024x1xi32>
    %transpose3A = tpu.transpose %convert_element_type3A_229, [1, 0] : vector<1024x1xi32> -> vector<1x1024xi32>
    %reshape3A = vector.shape_cast %transpose3A : vector<1x1024xi32> to vector<1x1x1024xi32>
    %swap3A = arith.constant 0 : index
    %swap3A_230 = arith.constant 0 : index
    %swap3A_231 = arith.constant 0 : index
    %swap3A_232 = vector.load %arg3[%swap3A, %swap3A_230, %swap3A_231] : memref<1x1x1024xi32, #tpu.memory_space<vmem>>, vector<1x1x1024xi32>
    tpu.vector_store %arg3[%swap3A, %swap3A_230, %swap3A_231], %reshape3A {strides = array<i32>} : memref<1x1x1024xi32, #tpu.memory_space<vmem>>, vector<1x1x1024xi32>,
    %get3A_233 = arith.constant 0 : index
    %get3A_234 = arith.constant 0 : index
    %get3A_235 = vector.load %arg4[%get3A_233, %get3A_234] : memref<1x1xf32, #tpu.memory_space<vmem>>, vector<1x1xf32>
    %reduce_sum3A_236 = vector.shape_cast %select_n3A_227 : vector<1024x1xf32> to vector<1x1024x1xf32>
    %reduce_sum3A_237 = arith.constant dense<0.000000e+00> : vector<1xf32>
    %reduce_sum3A_238 = vector.multi_reduction <add>, %reduce_sum3A_236, %reduce_sum3A_237 [1, 2] : vector<1x1024x1xf32> to vector<1xf32>
    %reduce_sum3A_239 = vector.shape_cast %reduce_sum3A_238 : vector<1xf32> to vector<1x1x1xf32>
    %reduce_sum3A_240 = vector.extract %reduce_sum3A_239[0, 0, 0] : f32 from vector<1x1x1xf32>
    %broadcast_in_dim3A_241 = vector.broadcast %reduce_sum3A_240 : f32 to vector<1x1xf32>
    %add3A_242 = arith.addf %get3A_235, %broadcast_in_dim3A_241 : vector<1x1xf32>
    %swap3A_243 = arith.constant 0 : index
    %swap3A_244 = arith.constant 0 : index
    %swap3A_245 = vector.load %arg4[%swap3A_243, %swap3A_244] : memref<1x1xf32, #tpu.memory_space<vmem>>, vector<1x1xf32>
    tpu.vector_store %arg4[%swap3A_243, %swap3A_244], %add3A_242 {strides = array<i32>} : memref<1x1xf32, #tpu.memory_space<vmem>>, vector<1x1xf32>,
    %eq3A_246 = arith.constant 7 : i32
    %eq3A_247 = arith.cmpi eq, %arg0, %eq3A_246 : i32
    %convert_element_type3A_248 = arith.extui %eq3A_247 : i1 to i32
    %cond3A_249 = arith.constant 0 : i32
    %cond3A_250 = arith.cmpi ne, %convert_element_type3A_248, %cond3A_249 : i32
    scf.if %cond3A_250 {
      %get3A_251 = arith.constant 0 : index
      %get3A_252 = arith.constant 0 : index
      %get3A_253 = vector.load %arg4[%get3A_251, %get3A_252] : memref<1x1xf32, #tpu.memory_space<vmem>>, vector<1x1xf32>
      %get3A_254 = vector.extract %get3A_253[0, 0] : f32 from vector<1x1xf32>
      %div3A = arith.constant 0x4A000000 : f32
      %div3A_255 = arith.divf %get3A_254, %div3A : f32
      %mul3A_256 = arith.constant 2.500000e-01 : f32
      %mul3A_257 = arith.mulf %mul3A_256, %div3A_255 : f32
      %add3A_258 = arith.addf %mul3A_257, %div3A_255 : f32
      %broadcast_in_dim3A_259 = vector.broadcast %add3A_258 : f32 to vector<1x1xf32>
      %swap3A_260 = arith.constant 0 : index
      %swap3A_261 = arith.constant 0 : index
      %swap3A_262 = vector.load %arg4[%swap3A_260, %swap3A_261] : memref<1x1xf32, #tpu.memory_space<vmem>>, vector<1x1xf32>
      tpu.vector_store %arg4[%swap3A_260, %swap3A_261], %broadcast_in_dim3A_259 {strides = array<i32>} : memref<1x1xf32, #tpu.memory_space<vmem>>, vector<1x1xf32>,
    } else {
    }
    return
  }
  func.func @transform_0(%arg0: i32) -> (i32, i32) {
    %c0_i32 = arith.constant 0 : i32
    %c0_i32_0 = arith.constant 0 : i32
    return %arg0, %c0_i32 : i32, i32
  }
  func.func @transform_1(%arg0: i32) -> (i32, i32) {
    %c0_i32 = arith.constant 0 : i32
    %c0_i32_0 = arith.constant 0 : i32
    %c0_i32_1 = arith.constant 0 : i32
    return %c0_i32, %c0_i32_0 : i32, i32
  }
  func.func @transform_2(%arg0: i32) -> (i32, i32, i32) {
    %c0_i32 = arith.constant 0 : i32
    %c0_i32_0 = arith.constant 0 : i32
    %c0_i32_1 = arith.constant 0 : i32
    return %arg0, %c0_i32, %c0_i32_0 : i32, i32, i32
  }
  func.func @transform_3(%arg0: i32) -> (i32, i32) {
    %c0_i32 = arith.constant 0 : i32
    %c0_i32_0 = arith.constant 0 : i32
    %c0_i32_1 = arith.constant 0 : i32
    return %c0_i32, %c0_i32_0 : i32, i32
  }
}

</mosaic_0001>

<sc_bundles>
// kernel: kernel.4.cloned.1.call-start
scs
__scs_entry_jumppad:
0x0: {  	(pc) =	sbr.rel $0x88, $3  }
0x1: {  	(tag) =	ssettag $0x0;
	lr =	simm.s32 $0x1  }
0x2: {  	[smem:$0x3F9F] =	sst lr;
	_ =	strace $0xD0000000  }
0x3: {  	_ = 	snop  }
0x4: {  	_ = 	snop  }
0x5: {  	_ = 	snop  }
0x6: {  	_ = 	snop  }
0x7: {  	_ = 	snop  }
__scs_overlays_trampoline_lowered:
0x8: {  	[smem:$0x3FAE] =	sst s0  }
0x9: {  	[smem:$0x3FAF] =	sst s1  }
0xa: {  	[smem:$0x3FB0] =	sst s2  }
0xb: {  	[smem:$0x3FB1] =	sst s3  }
0xc: {  	[smem:$0x3FB2] =	sst s4  }
0xd: {  	[smem:$0x3FB3] =	sst s5  }
0xe: {  	[smem:$0x3FB4] =	sst s6  }
0xf: {  	[smem:$0x3FB5] =	sst s7  }
0x10: {  	[smem:$0x3FB6] =	sst s8  }
0x11: {  	[smem:$0x3FB7] =	sst s9;
	s0 =	simm.s32 @!p0 $0x0  }
0x12: {  	s1 =	sld [smem:$0x3F9D];
	s0 =	simm.s32 @p0 $0x1  }
0x13: {  	[smem:$0x3FB8] =	sst s0;
	s0 =	simm.s32 @!p1 $0x0  }
0x14: {  	s2 =	sld [smem:$0x3F9C];
	s0 =	simm.s32 @p1 $0x1  }
0x15: {  	[smem:$0x3FB9] =	sst s0;
	s0 =	simm.s32 @!p2 $0x0  }
0x16: {  	s3 =	sld [smem:$0x3FDB];
	s0 =	simm.s32 @p2 $0x1  }
0x17: {  	s4 =	simm.s32 $0x1BF5;
	[smem:$0x3FBB] =	sst s0  }
0x18: {  	s0 =	sld [smem:$0x3F9E];
	_ =	swait.ge [sflag:s4], $0x0  }
0x19: {  	s7 =	sld [smem:$0x3F9F]  }
0x1a: {  	s8 =	sadd.s32 $0xFFFFE003, lr  }
0x1b: {  	s9 =	sadd.s32 $0xFFFFFEF7, lr;
	s5 =	simm.s32 $0xFFFFFFFF;
	p2 =	slt.u32 s8, $0xFFFFF086  }
0x1c: {  	p1 =	slt.u32 s9, $0xF7A;
	s5 =	simm.s32 @!p2 $0x0  }
0x1d: {  	s5 =	simm.s32 @p1 $0x1;
	p0 =	seq.s32 s7, s2  }
0x1e: {  	s7 =	smul.u32 @!p0 $0xF7A, s2;
	p2 =	seq.s32 @!p0 s5, $0x0  }
0x1f: {  	s9 =	smul.u32 $0xF7A, s1;
	s8 =	simm.s32 @!p0 $0x1BF5;
	p2 =	por !p2, p0  }
0x20: {  	[sflag:s8] =	ssyncset.s32 @!p0 $0xFFFFF086;
	s6 =	sadd.s32 @!p0 s3, s7;
	s7 =	simm.s32 @!p0 $0x108  }
0x21: {  	s3 =	sadd.s32 s3, s9;
	s6 =	sadd.s32 @!p0 $0x88, s6;
	s7 =	simm.s32 @p2 $0x1082  }
0x22: {  	[simem:s7], [sflag:s8] =	dma.local @!p0 [hbm:s6], $0xF7A  }
0x23: {  	s9 =	sor.u32 $0xD0000000, s2;
	s6 =	simm.s32 $0x108;
	_ =	swait.ge @!p0 [sflag:s8], $0x0  }
0x24: {  	s3 =	sadd.s32 $0x88, s3;
	s6 =	simm.s32 @!p1 $0x1082;
	[sflag:s4] =	ssyncset.s32 $0xFFFFF086  }
0x25: {  	[simem:s6], [sflag:s4] =	dma.local [hbm:s3], $0xF7A  }
0x26: {  	[smem:$0x3F9F] =	sst s1;
	(tag) =	ssettag s2;
	_ =	strace s9  }
0x27: {  	s1 =	sld [smem:$0x3FAF]  }
0x28: {  	s2 =	sld [smem:$0x3FB0]  }
0x29: {  	s4 =	sld [smem:$0x3FB2]  }
0x2a: {  	p0 =	seq.s32 s5, $0x0;
	s5 =	sld [smem:$0x3FB3]  }
0x2b: {  	s6 =	sld [smem:$0x3FB4]  }
0x2c: {  	s7 =	sld [smem:$0x3FB5]  }
0x2d: {  	s3 =	simm.s32 $0x108;
	s8 =	sld [smem:$0x3FB6]  }
0x2e: {  	s3 =	simm.s32 @!p0 $0x1082;
	s9 =	sld [smem:$0x3FB7]  }
0x2f: {  	lr =	sadd.s32 s0, s3;
	s0 =	sld [smem:$0x3FAE]  }
0x30: {  	s3 =	sld [smem:$0x3FB1]  }
0x31: {  	[smem:$0x3FBA] =	sst s10  }
0x32: {  	s10 =	sld [smem:$0x3FB8];
	_ =	sdelay $0x3  }
0x33: {  	p0 =	seq.s32 s10, $0x1;
	s10 =	sld [smem:$0x3FBA];
	_ =	sdelay $0x3  }
0x34: {  	[smem:$0x3FBA] =	sst s10  }
0x35: {  	s10 =	sld [smem:$0x3FB9];
	_ =	sdelay $0x3  }
0x36: {  	p1 =	seq.s32 s10, $0x1;
	s10 =	sld [smem:$0x3FBA];
	_ =	sdelay $0x3  }
0x37: {  	[smem:$0x3FBA] =	sst s10  }
0x38: {  	s10 =	sld [smem:$0x3FBB]  }
0x39: {  	_ = 	snop;
	(pc) =	sbr.ind lr, $3  }
0x3a: {  	_ = 	snop  }
0x3b: {  	_ = 	snop  }
0x3c: {  	p2 =	seq.s32 s10, $0x1;
	s10 =	sld [smem:$0x3FBA]  }
0x3d: {  	_ =	shalt  }
0x3e: {  	_ =	shalt  }
0x3f: {  	_ =	shalt  }
0x40: {  	_ =	shalt  }
0x41: {  	_ =	shalt  }
0x42: {  	_ =	shalt  }
0x43: {  	_ =	shalt  }
0x44: {  	_ =	shalt  }
0x45: {  	_ =	shalt  }
0x46: {  	_ =	shalt  }
0x47: {  	_ =	shalt  }
0x48: {  	_ =	shalt  }
0x49: {  	_ =	shalt  }
0x4a: {  	_ =	shalt  }
0x4b: {  	_ =	shalt  }
0x4c: {  	_ =	shalt  }
0x4d: {  	_ =	shalt  }
0x4e: {  	_ =	shalt  }
0x4f: {  	_ =	shalt  }
0x50: {  	_ =	shalt  }
0x51: {  	_ =	shalt  }
0x52: {  	_ =	shalt  }
0x53: {  	_ =	shalt  }
0x54: {  	_ =	shalt  }
0x55: {  	_ =	shalt  }
0x56: {  	_ =	shalt  }
0x57: {  	_ =	shalt  }
0x58: {  	_ =	shalt  }
0x59: {  	_ =	shalt  }
0x5a: {  	_ =	shalt  }
0x5b: {  	_ =	shalt  }
0x5c: {  	_ =	shalt  }
0x5d: {  	_ =	shalt  }
0x5e: {  	_ =	shalt  }
0x5f: {  	_ =	shalt  }
0x60: {  	_ =	shalt  }
0x61: {  	_ =	shalt  }
0x62: {  	_ =	shalt  }
0x63: {  	_ =	shalt  }
0x64: {  	_ =	shalt  }
0x65: {  	_ =	shalt  }
0x66: {  	_ =	shalt  }
0x67: {  	_ =	shalt  }
0x68: {  	_ =	shalt  }
0x69: {  	_ =	shalt  }
0x6a: {  	_ =	shalt  }
0x6b: {  	_ =	shalt  }
0x6c: {  	_ =	shalt  }
0x6d: {  	_ =	shalt  }
0x6e: {  	_ =	shalt  }
0x6f: {  	_ =	shalt  }
0x70: {  	_ =	shalt  }
0x71: {  	_ =	shalt  }
0x72: {  	_ =	shalt  }
0x73: {  	_ =	shalt  }
0x74: {  	_ =	shalt  }
0x75: {  	_ =	shalt  }
0x76: {  	_ =	shalt  }
0x77: {  	_ =	shalt  }
0x78: {  	_ =	shalt  }
0x79: {  	_ =	shalt  }
0x7a: {  	_ =	shalt  }
0x7b: {  	_ =	shalt  }
0x7c: {  	_ =	shalt  }
0x7d: {  	_ =	shalt  }
0x7e: {  	_ =	shalt  }
0x7f: {  	_ =	shalt  }
0x80: {  	_ =	shalt  }
0x81: {  	_ =	shalt  }
0x82: {  	_ =	shalt  }
0x83: {  	_ =	shalt  }
0x84: {  	_ =	shalt  }
0x85: {  	_ =	shalt  }
0x86: {  	_ =	shalt  }
0x87: {  	_ =	shalt  }
.Lfunc_end0:
.L_simem_size_0:
called_computation_lowered:
.L_overlay_start_0:
0x88: {  	s2 =	sld [smem:$0x3FD9]  }
0x89: {  	s3 =	sld [smem:$0x3FFE];
	_ =	sdelay $0x1  }
0x8a: {  	s1 =	srdreg.scid  }
0x8b: {  	s0 =	sand.u32 $0x1, s1  }
0x8c: {  	s14 =	sshll.u32 s0, $0xA;
	s2 =	sadd.s32 s3, s2  }
0x8d: {  	s2 =	sadd.s32 s2, s14  }
0x8e: {  	[smem:$0x3FC6] =	sst s2  }
0x8f: {  	_ = 	snop  }
0x90: {  	s2 =	sld [smem:$0x3FD0];
	_ =	sdelay $0x2  }
0x91: {  	s15 =	simm.s32 $0xA;
	s4 =	simm.s32 $0x10  }
0x92: {  	[smem:s4], [sflag:s15] =	dma.local [hbm:s2], $0x1  }
0x93: {  	_ =	swait.eq [sflag:s15], $0x1  }
0x94: {  	[sflag:s15] =	ssyncset.done $0x0  }
0x95: {  	[sflag:s15] =	ssyncadd.s32 $0xFFFFFFFF  }
0x96: {  	s16 =	sld [smem:$0x10];
	(tm) =	ssettm $0x1  }
0x97: {  	s17 =	sld [smem:$0x3FFB];
	_ =	sdelay $0x3  }
0x98: {  	_ =	strace s17  }
0x99: {  	s3 =	sld [smem:$0x3FFC];
	_ =	sdelay $0x3  }
0x9a: {  	_ =	strace s3  }
0x9b: {  	s3 =	sld [smem:$0x3FFD];
	_ =	sdelay $0x3  }
0x9c: {  	_ =	strace s3  }
0x9d: {  	_ =	strace $0x8FFFFFFF  }
0x9e: {  	s18 =	sld [smem:$0x3FDB];
	_ =	sdelay $0x1  }
0x9f: {  	s19 =	simm.s32 $_scs_section_size  }
0xa0: {  	s5 =	simm.s32 $_size__tile_overlayer_lowered;
	s6 =	simm.s32 $_tile_overlayer_lowered  }
0xa1: {  	s22 =	simm.s32 $0x1BFF;
	s21 =	sshll.u32 s6, $0x1;
	s3 =	sadd.s32 s19, s18  }
0xa2: {  	s7 =	simm.s32 $0x0;
	s20 =	sshll.u32 s5, $0x1;
	s5 =	sadd.s32 s21, s3  }
0xa3: {  	[timem:s7], [sflag:s22] =	dma.local [hbm:s5], s20  }
0xa4: {  	_ =	swait.ge [sflag:s22], s20  }
0xa5: {  	s4 =	ssub.s32 $0x0, s20;
	[sflag:s22] =	ssyncset.done $0x0  }
0xa6: {  	[sflag:s22] =	ssyncadd.s32 s4;
	_ =	sdelay $0x1  }
0xa7: {  	s23 =	simm.s32 $0x1B8B  }
0xa8: {  	_ =	swait.ge [sflag:s23], $0x1  }
0xa9: {  	[sflag:s23] =	ssyncset.done $0x0  }
0xaa: {  	s25 =	simm.s32 $0x1B8E;
	s24 =	sld [smem:$0x3FFE];
	[sflag:s23] =	ssyncadd.s32 $0xFFFFFFFF  }
0xab: {  	s26 =	simm.s32 $execute0_lowered;
	[smem:$0x3FD2] =	sst s25  }
0xac: {  	s5 =	sshll.u32 s26, $0x1;
	_ =	strace $0x80000046;
	[dreg:$0x1] =	wrdreg $0xFFFFFFFF  }
0xad: {  	s28 =	simm.s32 $_size_execute0_lowered;
	s3 =	sadd.s32 s3, s5;
	[dreg:$0x0] =	wrdreg $0x0  }
0xae: {  	s5 =	sshll.u32 s28, $0x1;
	[dreg:$0x2] =	wrdreg s3  }
0xaf: {  	[dreg:$0x3] =	wrdreg s5  }
0xb0: {  	[dreg:$0x4] =	wrdreg $0xC0  }
0xb1: {  	_ =	task [dreg:s7], $0x5FFFF  }
0xb2: {  	[dreg:$0x1] =	wrdreg $0xFFFFFFFF  }
0xb3: {  	[dreg:$0x0] =	wrdreg $0x60  }
0xb4: {  	[dreg:$0x2] =	wrdreg s24  }
0xb5: {  	[dreg:$0x3] =	wrdreg s16  }
0xb6: {  	[dreg:$0x4] =	wrdreg $0x9  }
0xb7: {  	_ =	task.clear_ibuf [dreg:s7], $0x5FFFF;
	_ =	strace $0x90000046  }
0xb8: {  	s29 =	simm.s32 $0x9;
	_ =	strace $0x80000048  }
0xb9: {  	_ =	swait.ge [sflag:s29], $0x1  }
0xba: {  	[sflag:s29] =	ssyncadd.s32 $0xFFFFFFFF  }
0xbb: {  	_ =	strace $0x90000048  }
0xbc: {  	_ =	sfence  }
0xbd: {  	s30 =	sld [smem:$0x0];
	_ =	sdelay $0x2  }
0xbe: {  	s31 =	sshll.u32 s1, $0xD;
	s1 =	sshrl.u32 s1, $0x2  }
0xbf: {  	s3 =	sand.u32 $0x4000, s31;
	s1 =	sadd.s32 s1, s30  }
0xc0: {  	s0 =	sor.u32 s3, s0;
	s1 =	sshll.u32 s1, $0x11  }
0xc1: {  	s0 =	sor.u32 s1, s0  }
0xc2: {  	s0 =	sadd.s32 $0x8F2B, s0  }
0xc3: {  	[sflag:s0] =	ssyncadd.remote.s32 $0x1  }
0xc4: {  	_ =	sfence.sel $0xFFFF  }
0xc5: {  	[dreg:$0x0] =	wrdreg $0xFFFFFFFF;
	(pc) =	sbr.abs _section_cstart, $3  }
0xc6: {  	[dreg:$0x1] =	wrdreg $0xFFFFFFFF  }
0xc7: {  	_ =	task.clear_ibuf [dreg:s7], $0x2FFFF;
	_ =	strace $0x9FFFFFFF  }
0xc8: {  	(tm) =	ssettm $0x7FFFFFFF  }
0xc9: {  	_ =	shalt  }
tec
execute0_lowered:
.L_overlay_start_1:
0x0: {  	(tag) =	ssettag $0x1  }
0x1: {  	s1 =	srdreg.scid;
	s4 =	rddreg [dreg:$0x0]  }
0x2: {  	s0 =	stileid.u32;
	s3 =	rddreg [dreg:$0x1]  }
0x3: {  	s14 =	simm.s32 $0xA00;
	s15 =	simm.s32 $0x1200;
	s16 =	simm.s32 $0x1A00  }
0x4: {  	s17 =	simm.s32 $0x2200;
	s1 =	sand.u32 $0x1, s1;
	s2 =	sshll.u32 s0, $0x1  }
0x5: {  	s18 =	simm.s32 $0x2A00;
	s5 =	sor.u32 s1, s2;
	s2 =	simm.s32 $0x0  }
0x6: {  	s19 =	simm.s32 $0x3200;
	s21 =	simm.s32 $0x3A00;
	[smem:$0x7FF] =	sst s2  }
0x7: {  	s22 =	simm.s32 $0x4A00;
	_ =	strace $0x80000047;
	[dreg:$0x7] =	wrdreg s14  }
0x8: {  	s23 =	simm.s32 $0x5200;
	s24 =	simm.s32 $0x5A00;
	[dreg:$0x8] =	wrdreg s15  }
0x9: {  	s7 =	simm.s32 $0x200;
	s25 =	simm.s32 $0x6200;
	[dreg:$0x9] =	wrdreg s16  }
0xa: {  	s8 =	simm.s32 $0x4200;
	s26 =	simm.s32 $0x6A00;
	[dreg:$0xa] =	wrdreg s17  }
0xb: {  	s10 =	simm.s32 $0x7A00;
	s11 =	simm.s32 $0x8200;
	[dreg:$0xb] =	wrdreg s18  }
0xc: {  	s28 =	simm.s32 $0x1;
	s29 =	simm.s32 $0x2;
	[dreg:$0xc] =	wrdreg s19  }
0xd: {  	s30 =	simm.s32 $0x3;
	s31 =	simm.s32 $0x4;
	[dreg:$0xd] =	wrdreg s21  }
0xe: {  	s1 =	ssub.s32 $0x2, s1;
	s6 =	sshll.u32 s5, $0x6;
	[dreg:$0xe] =	wrdreg s22  }
0xf: {  	s5 =	sshll.u32 s5, $0xD;
	s20 =	sshrl.u32 s1, $0x1;
	[dreg:$0xf] =	wrdreg s23  }
0x10: {  	s6 =	sadd.s32 s6, s4;
	s3 =	sadd.s32 s3, s5;
	[dreg:$0x10] =	wrdreg s24  }
0x11: {  	s4 =	sadd.s32 $0x600, s4;
	s1 =	ssub.s32 s1, s20;
	[dreg:$0x11] =	wrdreg s25  }
0x12: {  	[dreg:$0x12] =	wrdreg s26;
	s14 =	simm.s32 $0x9A00;
	s15 =	simm.s32 $0xA200  }
0x13: {  	s16 =	simm.s32 $0xAA00;
	s17 =	simm.s32 $0xB200;
	s18 =	simm.s32 $0xBA00  }
0x14: {  	s19 =	simm.s32 $0xC200;
	s20 =	simm.s32 $0xCA00;
	s21 =	simm.s32 $0xD200  }
0x15: {  	s22 =	simm.s32 $0xDA00;
	s23 =	simm.s32 $0xE200;
	s6 =	sadd.s32 $0x40600, s6  }
0x16: {  	s24 =	simm.s32 $0xEA00;
	s5 =	sadd.s32 $0x800, s3;
	[dreg:$0x3] =	wrdreg s6  }
0x17: {  	s25 =	simm.s32 $0xF200;
	s12 =	sadd.s32 $0x1000, s3;
	[dreg:$0x4] =	wrdreg s5  }
0x18: {  	v2 =	vlaneseq.u32;
	s26 =	simm.s32 $0xFA00;
	s13 =	sadd.s32 $0x1800, s3;
	[dreg:$0x5] =	wrdreg s12  }
0x19: {  	vm0 =	vmmov $0xffff;
	v1 =	vshrl.u32 v2, $0x3;
	[dreg:$0x6] =	wrdreg s13;
	s5 =	smax.u32 s1, $0x1;
	s6 =	simm.s32 $0x6  }
0x1a: {  	v0 =	vand.u32 $0x7, v2;
	v2 =	vor.u32 $0x8, v2;
	v1 =	vmul.u32 $0x8, v1;
	s12 =	simm.s32 $0x8A00;
	s13 =	simm.s32 $0x9200;
	s1 =	simm.s32 $0x5  }
.LBB2_1:
0x1b: {  	s0 =	rddreg [dreg:$0x3]  }
0x1c: {  	[tilespmem:s2], [sflag:$0x6] =	stream.linear.gather [hbm4b:s0+s2], $0x200, $0x38;
	[tilespmem:$0x10200] =	vst v63  }
0x1d: {  	_ =	swait.ge [sflag:s6], $0x200  }
0x1e: {  	[sflag:s6] =	ssyncset.done $0x0  }
0x1f: {  	[sflag:s6] =	ssyncadd.s32 $0xFFFFFE00  }
0x20: {  	v3 =	vld [tilespmem:$0x0];
	_ =	sdelay $0x4  }
0x21: {  	v4 =	vshll.u32 v3, $0x1  }
0x22: {  	v3 =	vand.u32 $0x7, v3;
	v4 =	vand.u32 $0xFFFFFFF0, v4  }
0x23: {  	v3 =	vor.u32 v3, v4  }
0x24: {  	v4 =	vperm.xlane v3, v0;
	_ =	sdelay $0x1  }
0x25: {  	v3 =	vperm.xlane v3, v2;
	v4 =	vadd.s32 v1, v4;
	_ =	sdelay $0x1  }
0x26: {  	v3 =	vadd.s32 v1, v3;
	_ =	sdelay $0x2  }
0x27: {  	[tilespmem:s7], [sflag:$0x1] =	stream.indirect_vreg.gather [hbm4b:s4+s2], $0x80, v4, vm0, $0xb8;
	[tilespmem:$0x10200] =	vst v63  }
0x28: {  	s9 =	rddreg [dreg:$0x7]  }
0x29: {  	[tilespmem:s9], [sflag:$0x1] =	stream.indirect_vreg.gather [hbm4b:s4+s2], $0x80, v3, vm0, $0xb8;
	[tilespmem:$0x10200] =	vst v63  }
0x2a: {  	v3 =	vld [tilespmem:$0x10];
	_ =	sdelay $0x4  }
0x2b: {  	v49 =	vshll.u32 v3, $0x1  }
0x2c: {  	v3 =	vand.u32 $0x7, v3;
	v4 =	vand.u32 $0xFFFFFFF0, v49  }
0x2d: {  	v3 =	vor.u32 v3, v4  }
0x2e: {  	v4 =	vperm.xlane v3, v0;
	_ =	sdelay $0x1  }
0x2f: {  	v3 =	vperm.xlane v3, v2;
	v4 =	vadd.s32 v1, v4;
	_ =	sdelay $0x1  }
0x30: {  	v3 =	vadd.s32 v1, v3;
	_ =	sdelay $0x1  }
0x31: {  	s0 =	rddreg [dreg:$0x8]  }
0x32: {  	[tilespmem:s0], [sflag:$0x1] =	stream.indirect_vreg.gather [hbm4b:s4+s2], $0x80, v4, vm0, $0xb8;
	[tilespmem:$0x10200] =	vst v63  }
0x33: {  	s9 =	rddreg [dreg:$0x9]  }
0x34: {  	[tilespmem:s9], [sflag:$0x1] =	stream.indirect_vreg.gather [hbm4b:s4+s2], $0x80, v3, vm0, $0xb8;
	[tilespmem:$0x10200] =	vst v63  }
0x35: {  	v3 =	vld [tilespmem:$0x20];
	_ =	sdelay $0x4  }
0x36: {  	v50 =	vshll.u32 v3, $0x1  }
0x37: {  	v3 =	vand.u32 $0x7, v3;
	v4 =	vand.u32 $0xFFFFFFF0, v50  }
0x38: {  	v3 =	vor.u32 v3, v4  }
0x39: {  	v4 =	vperm.xlane v3, v0;
	_ =	sdelay $0x1  }
0x3a: {  	v3 =	vperm.xlane v3, v2;
	v4 =	vadd.s32 v1, v4;
	_ =	sdelay $0x1  }
0x3b: {  	v3 =	vadd.s32 v1, v3;
	_ =	sdelay $0x1  }
0x3c: {  	s0 =	rddreg [dreg:$0xa]  }
0x3d: {  	[tilespmem:s0], [sflag:$0x1] =	stream.indirect_vreg.gather [hbm4b:s4+s2], $0x80, v4, vm0, $0xb8;
	[tilespmem:$0x10200] =	vst v63  }
0x3e: {  	s9 =	rddreg [dreg:$0xb]  }
0x3f: {  	[tilespmem:s9], [sflag:$0x1] =	stream.indirect_vreg.gather [hbm4b:s4+s2], $0x80, v3, vm0, $0xb8;
	[tilespmem:$0x10200] =	vst v63  }
0x40: {  	v3 =	vld [tilespmem:$0x30];
	_ =	sdelay $0x4  }
0x41: {  	v51 =	vshll.u32 v3, $0x1  }
0x42: {  	v3 =	vand.u32 $0x7, v3;
	v4 =	vand.u32 $0xFFFFFFF0, v51  }
0x43: {  	v3 =	vor.u32 v3, v4  }
0x44: {  	v4 =	vperm.xlane v3, v0;
	_ =	sdelay $0x1  }
0x45: {  	v3 =	vperm.xlane v3, v2;
	v4 =	vadd.s32 v1, v4;
	_ =	sdelay $0x1  }
0x46: {  	v3 =	vadd.s32 v1, v3;
	_ =	sdelay $0x1  }
0x47: {  	s0 =	rddreg [dreg:$0xc]  }
0x48: {  	[tilespmem:s0], [sflag:$0x1] =	stream.indirect_vreg.gather [hbm4b:s4+s2], $0x80, v4, vm0, $0xb8;
	[tilespmem:$0x10200] =	vst v63  }
0x49: {  	s9 =	rddreg [dreg:$0xd]  }
0x4a: {  	[tilespmem:s9], [sflag:$0x1] =	stream.indirect_vreg.gather [hbm4b:s4+s2], $0x80, v3, vm0, $0xb8;
	[tilespmem:$0x10200] =	vst v63  }
0x4b: {  	v3 =	vld [tilespmem:$0x80];
	_ =	sdelay $0x4  }
0x4c: {  	v52 =	vshll.u32 v3, $0x1  }
0x4d: {  	v3 =	vand.u32 $0x7, v3;
	v4 =	vand.u32 $0xFFFFFFF0, v52  }
0x4e: {  	v3 =	vor.u32 v3, v4  }
0x4f: {  	v4 =	vperm.xlane v3, v0;
	_ =	sdelay $0x1  }
0x50: {  	v3 =	vperm.xlane v3, v2;
	v4 =	vadd.s32 v1, v4;
	_ =	sdelay $0x1  }
0x51: {  	v3 =	vadd.s32 v1, v3;
	_ =	sdelay $0x2  }
0x52: {  	[tilespmem:s8], [sflag:$0x2] =	stream.indirect_vreg.gather [hbm4b:s4+s2], $0x80, v4, vm0, $0xb8;
	[tilespmem:$0x10200] =	vst v63  }
0x53: {  	s9 =	rddreg [dreg:$0xe]  }
0x54: {  	[tilespmem:s9], [sflag:$0x2] =	stream.indirect_vreg.gather [hbm4b:s4+s2], $0x80, v3, vm0, $0xb8;
	[tilespmem:$0x10200] =	vst v63  }
0x55: {  	v3 =	vld [tilespmem:$0x90];
	_ =	sdelay $0x4  }
0x56: {  	v53 =	vshll.u32 v3, $0x1  }
0x57: {  	v3 =	vand.u32 $0x7, v3;
	v4 =	vand.u32 $0xFFFFFFF0, v53  }
0x58: {  	v3 =	vor.u32 v3, v4  }
0x59: {  	v4 =	vperm.xlane v3, v0;
	_ =	sdelay $0x1  }
0x5a: {  	v3 =	vperm.xlane v3, v2;
	v4 =	vadd.s32 v1, v4;
	_ =	sdelay $0x1  }
0x5b: {  	v3 =	vadd.s32 v1, v3;
	_ =	sdelay $0x1  }
0x5c: {  	s0 =	rddreg [dreg:$0xf]  }
0x5d: {  	[tilespmem:s0], [sflag:$0x2] =	stream.indirect_vreg.gather [hbm4b:s4+s2], $0x80, v4, vm0, $0xb8;
	[tilespmem:$0x10200] =	vst v63  }
0x5e: {  	s9 =	rddreg [dreg:$0x10]  }
0x5f: {  	[tilespmem:s9], [sflag:$0x2] =	stream.indirect_vreg.gather [hbm4b:s4+s2], $0x80, v3, vm0, $0xb8;
	[tilespmem:$0x10200] =	vst v63  }
0x60: {  	v3 =	vld [tilespmem:$0xA0];
	_ =	sdelay $0x4  }
0x61: {  	v54 =	vshll.u32 v3, $0x1  }
0x62: {  	v3 =	vand.u32 $0x7, v3;
	v4 =	vand.u32 $0xFFFFFFF0, v54  }
0x63: {  	v3 =	vor.u32 v3, v4  }
0x64: {  	v4 =	vperm.xlane v3, v0;
	_ =	sdelay $0x1  }
0x65: {  	v3 =	vperm.xlane v3, v2;
	v4 =	vadd.s32 v1, v4;
	_ =	sdelay $0x1  }
0x66: {  	v3 =	vadd.s32 v1, v3;
	_ =	sdelay $0x1  }
0x67: {  	s0 =	rddreg [dreg:$0x11]  }
0x68: {  	[tilespmem:s0], [sflag:$0x2] =	stream.indirect_vreg.gather [hbm4b:s4+s2], $0x80, v4, vm0, $0xb8;
	[tilespmem:$0x10200] =	vst v63  }
0x69: {  	s9 =	rddreg [dreg:$0x12]  }
0x6a: {  	[tilespmem:s9], [sflag:$0x2] =	stream.indirect_vreg.gather [hbm4b:s4+s2], $0x80, v3, vm0, $0xb8;
	[tilespmem:$0x10200] =	vst v63  }
0x6b: {  	v3 =	vld [tilespmem:$0xB0];
	_ =	sdelay $0x4  }
0x6c: {  	v55 =	vshll.u32 v3, $0x1  }
0x6d: {  	v3 =	vand.u32 $0x7, v3;
	v4 =	vand.u32 $0xFFFFFFF0, v55  }
0x6e: {  	v3 =	vor.u32 v3, v4  }
0x6f: {  	v4 =	vperm.xlane v3, v0;
	_ =	sdelay $0x1  }
0x70: {  	v3 =	vperm.xlane v3, v2;
	v4 =	vadd.s32 v1, v4;
	_ =	sdelay $0x1  }
0x71: {  	v3 =	vadd.s32 v1, v3;
	_ =	sdelay $0x1  }
0x72: {  	s9 =	simm.s32 $0x7200  }
0x73: {  	[tilespmem:s9], [sflag:$0x2] =	stream.indirect_vreg.gather [hbm4b:s4+s2], $0x80, v4, vm0, $0xb8;
	[tilespmem:$0x10200] =	vst v63  }
0x74: {  	_ = 	snop  }
0x75: {  	[tilespmem:s10], [sflag:$0x2] =	stream.indirect_vreg.gather [hbm4b:s4+s2], $0x80, v3, vm0, $0xb8;
	[tilespmem:$0x10200] =	vst v63  }
0x76: {  	v3 =	vld [tilespmem:$0x100];
	_ =	sdelay $0x4  }
0x77: {  	v56 =	vshll.u32 v3, $0x1  }
0x78: {  	v3 =	vand.u32 $0x7, v3;
	v4 =	vand.u32 $0xFFFFFFF0, v56  }
0x79: {  	v3 =	vor.u32 v3, v4  }
0x7a: {  	v4 =	vperm.xlane v3, v0;
	_ =	sdelay $0x1  }
0x7b: {  	v3 =	vperm.xlane v3, v2;
	v4 =	vadd.s32 v1, v4;
	_ =	sdelay $0x1  }
0x7c: {  	v3 =	vadd.s32 v1, v3;
	_ =	sdelay $0x2  }
0x7d: {  	[tilespmem:s11], [sflag:$0x3] =	stream.indirect_vreg.gather [hbm4b:s4+s2], $0x80, v4, vm0, $0xb8;
	[tilespmem:$0x10200] =	vst v63  }
0x7e: {  	_ = 	snop  }
0x7f: {  	[tilespmem:s12], [sflag:$0x3] =	stream.indirect_vreg.gather [hbm4b:s4+s2], $0x80, v3, vm0, $0xb8;
	[tilespmem:$0x10200] =	vst v63  }
0x80: {  	v3 =	vld [tilespmem:$0x110];
	_ =	sdelay $0x4  }
0x81: {  	v57 =	vshll.u32 v3, $0x1  }
0x82: {  	v3 =	vand.u32 $0x7, v3;
	v4 =	vand.u32 $0xFFFFFFF0, v57  }
0x83: {  	v3 =	vor.u32 v3, v4  }
0x84: {  	v4 =	vperm.xlane v3, v0;
	_ =	sdelay $0x1  }
0x85: {  	v3 =	vperm.xlane v3, v2;
	v4 =	vadd.s32 v1, v4;
	_ =	sdelay $0x1  }
0x86: {  	v3 =	vadd.s32 v1, v3;
	_ =	sdelay $0x2  }
0x87: {  	[tilespmem:s13], [sflag:$0x3] =	stream.indirect_vreg.gather [hbm4b:s4+s2], $0x80, v4, vm0, $0xb8;
	[tilespmem:$0x10200] =	vst v63  }
0x88: {  	_ = 	snop  }
0x89: {  	[tilespmem:s14], [sflag:$0x3] =	stream.indirect_vreg.gather [hbm4b:s4+s2], $0x80, v3, vm0, $0xb8;
	[tilespmem:$0x10200] =	vst v63  }
0x8a: {  	v3 =	vld [tilespmem:$0x120];
	_ =	sdelay $0x4  }
0x8b: {  	v58 =	vshll.u32 v3, $0x1  }
0x8c: {  	v3 =	vand.u32 $0x7, v3;
	v4 =	vand.u32 $0xFFFFFFF0, v58  }
0x8d: {  	v3 =	vor.u32 v3, v4  }
0x8e: {  	v4 =	vperm.xlane v3, v0;
	_ =	sdelay $0x1  }
0x8f: {  	v3 =	vperm.xlane v3, v2;
	v4 =	vadd.s32 v1, v4;
	_ =	sdelay $0x1  }
0x90: {  	v3 =	vadd.s32 v1, v3;
	_ =	sdelay $0x2  }
0x91: {  	[tilespmem:s15], [sflag:$0x3] =	stream.indirect_vreg.gather [hbm4b:s4+s2], $0x80, v4, vm0, $0xb8;
	[tilespmem:$0x10200] =	vst v63  }
0x92: {  	_ = 	snop  }
0x93: {  	[tilespmem:s16], [sflag:$0x3] =	stream.indirect_vreg.gather [hbm4b:s4+s2], $0x80, v3, vm0, $0xb8;
	[tilespmem:$0x10200] =	vst v63  }
0x94: {  	v3 =	vld [tilespmem:$0x130];
	_ =	sdelay $0x4  }
0x95: {  	v59 =	vshll.u32 v3, $0x1  }
0x96: {  	v3 =	vand.u32 $0x7, v3;
	v4 =	vand.u32 $0xFFFFFFF0, v59  }
0x97: {  	v3 =	vor.u32 v3, v4  }
0x98: {  	v4 =	vperm.xlane v3, v0;
	_ =	sdelay $0x1  }
0x99: {  	v3 =	vperm.xlane v3, v2;
	v4 =	vadd.s32 v1, v4;
	_ =	sdelay $0x1  }
0x9a: {  	v3 =	vadd.s32 v1, v3;
	_ =	sdelay $0x2  }
0x9b: {  	[tilespmem:s17], [sflag:$0x3] =	stream.indirect_vreg.gather [hbm4b:s4+s2], $0x80, v4, vm0, $0xb8;
	[tilespmem:$0x10200] =	vst v63  }
0x9c: {  	_ = 	snop  }
0x9d: {  	[tilespmem:s18], [sflag:$0x3] =	stream.indirect_vreg.gather [hbm4b:s4+s2], $0x80, v3, vm0, $0xb8;
	[tilespmem:$0x10200] =	vst v63  }
0x9e: {  	v3 =	vld [tilespmem:$0x180];
	_ =	sdelay $0x4  }
0x9f: {  	v60 =	vshll.u32 v3, $0x1  }
0xa0: {  	v3 =	vand.u32 $0x7, v3;
	v4 =	vand.u32 $0xFFFFFFF0, v60  }
0xa1: {  	v3 =	vor.u32 v3, v4  }
0xa2: {  	v4 =	vperm.xlane v3, v0;
	_ =	sdelay $0x1  }
0xa3: {  	v3 =	vperm.xlane v3, v2;
	v4 =	vadd.s32 v1, v4;
	_ =	sdelay $0x1  }
0xa4: {  	v3 =	vadd.s32 v1, v3;
	_ =	sdelay $0x2  }
0xa5: {  	[tilespmem:s19], [sflag:$0x4] =	stream.indirect_vreg.gather [hbm4b:s4+s2], $0x80, v4, vm0, $0xb8;
	[tilespmem:$0x10200] =	vst v63  }
0xa6: {  	_ = 	snop  }
0xa7: {  	[tilespmem:s20], [sflag:$0x4] =	stream.indirect_vreg.gather [hbm4b:s4+s2], $0x80, v3, vm0, $0xb8;
	[tilespmem:$0x10200] =	vst v63  }
0xa8: {  	v3 =	vld [tilespmem:$0x190];
	_ =	sdelay $0x4  }
0xa9: {  	v61 =	vshll.u32 v3, $0x1  }
0xaa: {  	v3 =	vand.u32 $0x7, v3;
	v4 =	vand.u32 $0xFFFFFFF0, v61  }
0xab: {  	v3 =	vor.u32 v3, v4  }
0xac: {  	v4 =	vperm.xlane v3, v0;
	_ =	sdelay $0x1  }
0xad: {  	v3 =	vperm.xlane v3, v2;
	v4 =	vadd.s32 v1, v4;
	_ =	sdelay $0x1  }
0xae: {  	v3 =	vadd.s32 v1, v3;
	_ =	sdelay $0x2  }
0xaf: {  	[tilespmem:s21], [sflag:$0x4] =	stream.indirect_vreg.gather [hbm4b:s4+s2], $0x80, v4, vm0, $0xb8;
	[tilespmem:$0x10200] =	vst v63  }
0xb0: {  	_ = 	snop  }
0xb1: {  	[tilespmem:s22], [sflag:$0x4] =	stream.indirect_vreg.gather [hbm4b:s4+s2], $0x80, v3, vm0, $0xb8;
	[tilespmem:$0x10200] =	vst v63  }
0xb2: {  	v3 =	vld [tilespmem:$0x1A0];
	_ =	sdelay $0x4  }
0xb3: {  	v62 =	vshll.u32 v3, $0x1  }
0xb4: {  	v3 =	vand.u32 $0x7, v3;
	v4 =	vand.u32 $0xFFFFFFF0, v62  }
0xb5: {  	v3 =	vor.u32 v3, v4  }
0xb6: {  	v4 =	vperm.xlane v3, v0;
	_ =	sdelay $0x1  }
0xb7: {  	v3 =	vperm.xlane v3, v2;
	v4 =	vadd.s32 v1, v4;
	_ =	sdelay $0x1  }
0xb8: {  	v3 =	vadd.s32 v1, v3;
	_ =	sdelay $0x2  }
0xb9: {  	[tilespmem:s23], [sflag:$0x4] =	stream.indirect_vreg.gather [hbm4b:s4+s2], $0x80, v4, vm0, $0xb8;
	[tilespmem:$0x10200] =	vst v63  }
0xba: {  	_ = 	snop  }
0xbb: {  	[tilespmem:s24], [sflag:$0x4] =	stream.indirect_vreg.gather [hbm4b:s4+s2], $0x80, v3, vm0, $0xb8;
	[tilespmem:$0x10200] =	vst v63  }
0xbc: {  	v3 =	vld [tilespmem:$0x1B0];
	_ =	sdelay $0x4  }
0xbd: {  	v63 =	vshll.u32 v3, $0x1  }
0xbe: {  	v3 =	vand.u32 $0x7, v3;
	v4 =	vand.u32 $0xFFFFFFF0, v63  }
0xbf: {  	v3 =	vor.u32 v3, v4  }
0xc0: {  	v4 =	vperm.xlane v3, v0;
	_ =	sdelay $0x1  }
0xc1: {  	v3 =	vperm.xlane v3, v2;
	v4 =	vadd.s32 v1, v4;
	_ =	sdelay $0x1  }
0xc2: {  	v3 =	vadd.s32 v1, v3;
	_ =	sdelay $0x2  }
0xc3: {  	[tilespmem:s25], [sflag:$0x4] =	stream.indirect_vreg.gather [hbm4b:s4+s2], $0x80, v4, vm0, $0xb8;
	[tilespmem:$0x10200] =	vst v63  }
0xc4: {  	_ = 	snop  }
0xc5: {  	[tilespmem:s26], [sflag:$0x4] =	stream.indirect_vreg.gather [hbm4b:s4+s2], $0x80, v3, vm0, $0xb8;
	[tilespmem:$0x10200] =	vst v63  }
0xc6: {  	_ =	swait.ge [sflag:s28], $0x4000  }
0xc7: {  	[sflag:s28] =	ssyncset.done $0x0  }
0xc8: {  	[sflag:s28] =	ssyncadd.s32 $0xFFFFC000  }
0xc9: {  	[hbm4b:s3+s2] =	stream.linear.scatter [tilespmem:s7], [sflag:$0x5], $0x4000, $0x38;
	[tilespmem:$0x10200] =	vst v63  }
0xca: {  	_ =	swait.ge [sflag:s29], $0x4000  }
0xcb: {  	[sflag:s29] =	ssyncset.done $0x0  }
0xcc: {  	s9 =	rddreg [dreg:$0x4];
	[sflag:s29] =	ssyncadd.s32 $0xFFFFC000  }
0xcd: {  	[hbm4b:s9+s2] =	stream.linear.scatter [tilespmem:s8], [sflag:$0x5], $0x4000, $0x38;
	[tilespmem:$0x10200] =	vst v63  }
0xce: {  	_ =	swait.ge [sflag:s30], $0x4000  }
0xcf: {  	[sflag:s30] =	ssyncset.done $0x0  }
0xd0: {  	s9 =	rddreg [dreg:$0x5];
	[sflag:s30] =	ssyncadd.s32 $0xFFFFC000  }
0xd1: {  	[hbm4b:s9+s2] =	stream.linear.scatter [tilespmem:s11], [sflag:$0x5], $0x4000, $0x38;
	[tilespmem:$0x10200] =	vst v63  }
0xd2: {  	_ =	swait.ge [sflag:s31], $0x4000  }
0xd3: {  	[sflag:s31] =	ssyncset.done $0x0  }
0xd4: {  	s9 =	rddreg [dreg:$0x6];
	[sflag:s31] =	ssyncadd.s32 $0xFFFFC000  }
0xd5: {  	[hbm4b:s9+s2] =	stream.linear.scatter [tilespmem:s19], [sflag:$0x5], $0x4000, $0x38;
	[tilespmem:$0x10200] =	vst v63  }
0xd6: {  	_ =	swait.ge [sflag:s1], $0x4000  }
0xd7: {  	[sflag:s1] =	ssyncset.done $0x0  }
0xd8: {  	[sflag:s1] =	ssyncadd.s32 $0xFFFFC000  }
0xd9: {  	_ =	swait.ge [sflag:s1], $0x4000  }
0xda: {  	[sflag:s1] =	ssyncset.done $0x0  }
0xdb: {  	[sflag:s1] =	ssyncadd.s32 $0xFFFFC000  }
0xdc: {  	p0 =	sne.s32 s5, $0x1;
	_ =	swait.ge [sflag:s1], $0x4000  }
.Ltmp0:
0xdd: {  	[sflag:s1] =	ssyncset.done $0x0;
	(pc) =	sbr.rel @p0 .LBB2_1-.Ltmp0, $4  }
0xde: {  	[sflag:s1] =	ssyncadd.s32 $0xFFFFC000  }
0xdf: {  	_ =	swait.ge [sflag:s1], $0x4000  }
0xe0: {  	[sflag:s1] =	ssyncset.done $0x0  }
0xe1: {  	s5 =	sadd.s32 $0xFFFFFFFF, s5;
	[sflag:s1] =	ssyncadd.s32 $0xFFFFC000  }
0xe2: {  	_ =	sfence.sel $0x180000  }
0xe3: {  	[bflag:$0x0] =	sbarrier.arrive $0xFFFF  }
0xe4: {  	_ =	strace $0x90000047  }
0xe5: {  	s0 =	stileid.u32;
	[bflag:$0x2] =	sbarrier.arrive $0xFFFF  }
0xe6: {  	p0 =	sne.s32 s0, $0x0;
	s0 =	rddreg [dreg:$0x2]  }
0xe7: {  	s0 =	sadd.s32 @!p0 $0x100000, s0  }
0xe8: {  	[sflag:s0] =	ssyncadd.tile.s32 @!p0 $0x1;
	_ =	shalt  }
.Lfunc_end2:
_tile_overlayer_lowered:
.L_overlay_start_2:
0xe9: {  	(tag) =	ssettag $0x2  }
0xea: {  	s0 =	rddreg [dreg:$0x0];
	s2 =	stileid.u32  }
0xeb: {  	s1 =	rddreg [dreg:$0x1];
	p0 =	sne.s32 s2, $0x0  }
0xec: {  	s3 =	rddreg [dreg:$0x2];
	[bflag:$0x3] =	sbarrier.arrive $0xFFFF;
	s2 =	simm.s32 @!p0 $0x1C06  }
0xed: {  	[timem:s3], [sflag:s2] =	dma.local @!p0 [hbm:s0], s1  }
0xee: {  	s0 =	simm.s32 @!p0 $0x6  }
0xef: {  	_ =	swait.ge @!p0 [sflag:s0], s1  }
0xf0: {  	s1 =	ssub.s32 @!p0 $0x0, s1;
	[sflag:s0] =	ssyncset.done @!p0 $0x0  }
0xf1: {  	[sflag:s0] =	ssyncadd.s32 @!p0 s1  }
0xf2: {  	[bflag:$0x3] =	sbarrier.arrive $0xFFFF  }
0xf3: {  	_ =	shalt  }

</sc_bundles>
